<compile_context>
chip_gen: v7x
topology: tpu7x:2x2x1
jax: 0.10.2.dev20260603
libtpu: 0.0.44.dev20260713+nightly
codegen_flags: <defaults>
</compile_context>

<pallas_src>
import functools

import jax
import jax.numpy as jnp
import numpy as np
from jax import lax
from jax.experimental import pallas as pl
from jax.experimental.pallas import tpu as pltpu
from jax.experimental.pallas import tpu_sc as plsc

N_NODES = 100000
N_EDGES = 6400000
GAIN_BASE_LN = float(np.log(10.0))

NC = 2
NS = 16
NW = NC * NS
ROW_W = 128
ROWS = N_EDGES // ROW_W
CHUNK_R = 10
TOT_CHUNKS = ROWS // CHUNK_R
NBUF = 4
CHUNK_E = CHUNK_R * ROW_W
ACC_PAD = 100352
SLICE = ACC_PAD // NS
ZCH = SLICE // 4


def _sc_segment_sum(src2d, dst2d, w2d, rates):
    mesh = plsc.VectorSubcoreMesh(core_axis_name="c", subcore_axis_name="s")

    @functools.partial(
        pl.kernel,
        out_type=jax.ShapeDtypeStruct((NC, ACC_PAD), jnp.float32),
        mesh=mesh,
        compiler_params=pltpu.CompilerParams(
            needs_layout_passes=False, use_tc_tiling_on_sc=False),
        scratch_types=[
            pltpu.VMEM((N_NODES,), jnp.float32),
            pltpu.VMEM((NBUF, CHUNK_E), jnp.int32),
            pltpu.VMEM((NBUF, CHUNK_R, ROW_W), jnp.int32),
            pltpu.VMEM((NBUF, CHUNK_E), jnp.float32),
            pltpu.VMEM((ZCH,), jnp.float32),
            pltpu.VMEM_SHARED((ACC_PAD,), jnp.float32),
            pltpu.VMEM_SHARED((N_NODES,), jnp.float32),
            pltpu.SemaphoreType.DMA((NBUF, 3)),
            pltpu.SemaphoreType.DMA((NBUF,)),
        ],
    )
    def k(src_hbm, dst_hbm, w_hbm, rates_hbm, out_hbm,
          rates_v, src_v, dst_v, w_v, zbuf, acc, rates_sh, lsem, ssem):
        cid = lax.axis_index("c")
        sid = lax.axis_index("s")
        wid = cid * NS + sid

        @pl.when(sid == 0)
        def _():
            pltpu.sync_copy(rates_hbm, rates_sh)

        def zb(i, _):
            zbuf[pl.ds(i * 16, 16)] = jnp.zeros((16,), jnp.float32)
            return 0
        lax.fori_loop(0, ZCH // 16, zb, 0)
        for q in range(SLICE // ZCH):
            pltpu.sync_copy(zbuf, acc.at[pl.ds(sid * SLICE + q * ZCH, ZCH)])
        plsc.subcore_barrier()

        pltpu.sync_copy(rates_sh, rates_v)

        nchunks = TOT_CHUNKS // NW + jnp.where(wid < TOT_CHUNKS % NW, 1, 0)

        def issue_load(ci, b):
            r0 = (wid + ci * NW) * CHUNK_R
            e0 = r0 * ROW_W
            pltpu.async_copy(src_hbm.at[pl.ds(e0, CHUNK_E)], src_v.at[b],
                             lsem.at[b, 0])
            pltpu.async_copy(dst_hbm.at[pl.ds(r0, CHUNK_R)], dst_v.at[b],
                             lsem.at[b, 1])
            pltpu.async_copy(w_hbm.at[pl.ds(e0, CHUNK_E)], w_v.at[b],
                             lsem.at[b, 2])

        def wait_load(ci, b):
            r0 = (wid + ci * NW) * CHUNK_R
            e0 = r0 * ROW_W
            pltpu.make_async_copy(src_hbm.at[pl.ds(e0, CHUNK_E)],
                                  src_v.at[b], lsem.at[b, 0]).wait()
            pltpu.make_async_copy(dst_hbm.at[pl.ds(r0, CHUNK_R)],
                                  dst_v.at[b], lsem.at[b, 1]).wait()
            pltpu.make_async_copy(w_hbm.at[pl.ds(e0, CHUNK_E)],
                                  w_v.at[b], lsem.at[b, 2]).wait()

        def drain_scatter(b):
            pltpu.make_async_copy(src_hbm.at[pl.ds(0, CHUNK_E)],
                                  src_v.at[b], ssem.at[b]).wait()

        issue_load(0, 0)
        issue_load(1, 1)

        def chunk_body(ci, _):
            b = lax.rem(ci, NBUF)
            bn = lax.rem(ci + 2, NBUF)
            wait_load(ci, b)

            @plsc.parallel_loop(0, CHUNK_E, step=16, unroll=8)
            def gm(e):
                idx = src_v[b, pl.ds(e, 16)]
                g = plsc.load_gather(rates_v, [idx])
                w_v[b, pl.ds(e, 16)] = g * w_v[b, pl.ds(e, 16)]

            def srow(i, _):
                pltpu.async_copy(w_v.at[b, pl.ds(i * ROW_W, ROW_W)],
                                 acc.at[dst_v.at[b, i]],
                                 ssem.at[b], add=True)
                return 0
            lax.fori_loop(0, CHUNK_R, srow, 0)

            @pl.when(ci >= 2)
            def _():
                drain_scatter(bn)

            @pl.when(ci < nchunks - 2)
            def _():
                issue_load(ci + 2, bn)
            return 0
        lax.fori_loop(0, nchunks, chunk_body, 0)

        drain_scatter(lax.rem(nchunks - 2, NBUF))
        drain_scatter(lax.rem(nchunks - 1, NBUF))

        plsc.subcore_barrier()
        pltpu.sync_copy(acc.at[pl.ds(sid * SLICE, SLICE)],
                        out_hbm.at[cid, pl.ds(sid * SLICE, SLICE)])

    return k(src2d, dst2d, w2d, rates)


def _tc_finish(partials, rates_p, tau_p, gain_p, baseline_p):
    R, C = 98, 1024

    def body(p_ref, r_ref, t_ref, g_ref, b_ref, o_ref):
        syn = p_ref[0] + p_ref[1]
        pre = syn + b_ref[...]
        act = jnp.tanh(pre)
        o_ref[...] = (-r_ref[...]
                      + jnp.exp(g_ref[...] * GAIN_BASE_LN) * act) / t_ref[...]

    return pl.pallas_call(
        body,
        out_shape=jax.ShapeDtypeStruct((R, C), jnp.float32),
    )(
        partials.reshape(NC, R, C),
        rates_p.reshape(R, C),
        tau_p.reshape(R, C),
        gain_p.reshape(R, C),
        baseline_p.reshape(R, C),
    )


def kernel(rates, t, edge_index, edge_weight, tau, gain, baseline):
    src1d = edge_index[0]
    dst2d = edge_index[1].reshape(ROWS, ROW_W)
    w1d = edge_weight
    del t

    partials = _sc_segment_sum(src1d, dst2d, w1d, rates)

    pad = ACC_PAD - N_NODES
    rates_p = jnp.pad(rates, (0, pad))
    tau_p = jnp.pad(tau, (0, pad), constant_values=1.0)
    gain_p = jnp.pad(gain, (0, pad))
    baseline_p = jnp.pad(baseline, (0, pad))

    out = _tc_finish(partials, rates_p, tau_p, gain_p, baseline_p)
    return out.reshape(ACC_PAD)[:N_NODES]

# --- scband reference (transcript-rebuilt; emitter-appended) ---
"""Pipeline reference for scband-jax-rate-model-12257836663149 (READ-ONLY COPY).

The authoritative reference and input builder live on the scoring server;
editing this copy changes nothing except your own understanding.
"""

import jax, jax.numpy as jnp
import numpy as np

N_NODES = 100000
N_EDGES = 6400000
GAIN_BASE = 10.0


def setup_inputs(seed: int = 0) -> dict:
    key = jax.random.key(seed)
    k1, k2, k3, k4, k5, k6 = jax.random.split(key, 6)
    rates = jax.random.normal(k1, (N_NODES,), dtype=jnp.float32)
    edge_index = jax.random.randint(k2, (2, N_EDGES), 0, N_NODES, dtype=jnp.int32)
    edge_weight = jax.random.normal(k3, (N_EDGES,), dtype=jnp.float32) * 0.1
    tau = jax.random.uniform(k4, (N_NODES,), dtype=jnp.float32, minval=0.5, maxval=1.5)
    gain = jax.random.uniform(k5, (N_NODES,), dtype=jnp.float32)
    baseline = jax.random.normal(k6, (N_NODES,), dtype=jnp.float32) * 0.1
    t = jnp.float32(0.5)
    return {
        "rates": rates,
        "t": t,
        "edge_index": edge_index,
        "edge_weight": edge_weight,
        "tau": tau,
        "gain": gain,
        "baseline": baseline,
    }


def reference(rates, t, edge_index, edge_weight, tau, gain, baseline):
    # JaxRateModel.rate_equations, vectorized over all dynamic nodes.
    # synaptic_input[dst] = sum over in-edges (src->dst) of rate[src] * weight
    # (no input nodes, so external_inputs = 0; t is unused but kept for fidelity)
    src = edge_index[0]
    dst = edge_index[1]
    msgs = rates[src] * edge_weight                      # gather over edges
    synaptic_input = jax.ops.segment_sum(msgs, dst, num_segments=N_NODES)  # scatter-add
    pre = synaptic_input + baseline                      # + external_inputs (0)
    act = jnp.tanh(pre)                                  # node activation ('tanh')
    derivatives = (1.0 / tau) * (-rates + GAIN_BASE ** gain * act)
    return derivatives

if __name__ == "__main__":
    import jax
    _d = setup_inputs()
    print(jax.jit(kernel)(*tuple(_d.values())))

</pallas_src>

<mosaic_0001>
#map = affine_map<(d0, d1) -> (0)>
#map1 = affine_map<(d0, d1) -> (0, 0)>
module attributes {stable_mosaic.version = 14 : i64} {
  func.func @k(%arg0: i32, %arg1: i32, %arg2: memref<6400000xi32, #tpu.memory_space<hbm>>, %arg3: memref<50000x128xi32, #tpu.memory_space<hbm>>, %arg4: memref<6400000xf32, #tpu.memory_space<hbm>>, %arg5: memref<100000xf32, #tpu.memory_space<hbm>>, %arg6: memref<2x100352xf32, #tpu.memory_space<hbm>>, %arg7: memref<100000xf32, #tpu.memory_space<vmem>>, %arg8: memref<4x1280xi32, #tpu.memory_space<vmem>>, %arg9: memref<4x10x128xi32, #tpu.memory_space<vmem>>, %arg10: memref<4x1280xf32, #tpu.memory_space<vmem>>, %arg11: memref<1568xf32, #tpu.memory_space<vmem>>, %arg12: memref<100352xf32, #tpu.memory_space<vmem_shared>>, %arg13: memref<100000xf32, #tpu.memory_space<vmem_shared>>, %arg14: memref<4x3x!tpu.dma_semaphore, #tpu.memory_space<semaphore_mem>>, %arg15: memref<4x!tpu.dma_semaphore, #tpu.memory_space<semaphore_mem>>) attributes {dimension_semantics = [#tpu.dimension_semantics<core_parallel>, #tpu.dimension_semantics<subcore_parallel>], iteration_bounds = array<i64: 2, 16>, scalar_prefetch = 0 : i64, scratch_operands = 9 : i64, tpu.core_type = #tpu.core_type<sc_vector_subcore>, window_params = [{transform_indices = #map}, {transform_indices = #map1}, {transform_indices = #map}, {transform_indices = #map}, {transform_indices = #map1}]} {
    %mul3A = arith.constant 16 : i32
    %mul3A_0 = arith.muli %arg0, %mul3A : i32
    %add3A = arith.addi %mul3A_0, %arg1 : i32
    %eq3A = arith.constant 0 : i32
    %eq3A_1 = arith.cmpi eq, %arg1, %eq3A : i32
    %convert_element_type3A = arith.extui %eq3A_1 : i1 to i32
    %cond3A = arith.constant 0 : i32
    %cond3A_2 = arith.cmpi ne, %convert_element_type3A, %cond3A : i32
    scf.if %cond3A_2 {
      "tpu.region"() ({
        %run_scoped3A = tpu.sem_alloc : memref<!tpu.dma_semaphore, #tpu.memory_space<semaphore_mem>>
        tpu.enqueue_dma source(%arg5 : memref<100000xf32, #tpu.memory_space<hbm>>) target(%arg13 : memref<100000xf32, #tpu.memory_space<vmem_shared>>) target_semaphore(%run_scoped3A : memref<!tpu.dma_semaphore, #tpu.memory_space<semaphore_mem>>)
        tpu.wait_dma2 semaphore(%run_scoped3A : memref<!tpu.dma_semaphore, #tpu.memory_space<semaphore_mem>>) src(%arg5 : memref<100000xf32, #tpu.memory_space<hbm>>) dst(%arg13 : memref<100000xf32, #tpu.memory_space<vmem_shared>>)
        tpu.yield
      }) : () -> ()
    } else {
    }
    %scan3A = arith.constant 0 : i32
    %scan3A_3 = arith.constant 0 : i32
    %scan3A_4 = arith.constant 98 : i32
    %scan3A_5 = arith.addi %scan3A_3, %scan3A_4 : i32
    %scan3A_6 = arith.constant 1 : i32
    %scan3A_7 = scf.for %scan3A_171 = %scan3A_3 to %scan3A_5 step %scan3A_6 iter_args(%scan3A_172 = %scan3A) -> (i32)  : i32 {
      %broadcast_in_dim3A = arith.constant 0.000000e+00 : f32
      %broadcast_in_dim3A_173 = vector.broadcast %broadcast_in_dim3A : f32 to vector<16xf32>
      %mul3A_174 = arith.constant 16 : i32
      %mul3A_175 = arith.muli %scan3A_171, %mul3A_174 : i32
      %swap3A = arith.index_cast %mul3A_175 : i32 to index
      %swap3A_176 = tpu.vector_load %arg11[%swap3A] {strides = array<i32>} : memref<1568xf32, #tpu.memory_space<vmem>>, vector<16xf32>,
      tpu.vector_store %arg11[%swap3A], %broadcast_in_dim3A_173 {strides = array<i32>} : memref<1568xf32, #tpu.memory_space<vmem>>, vector<16xf32>,
      %scan3A_177 = arith.constant 0 : i32
      scf.yield %scan3A_177 : i32
    }
    %scan3A_8 = arith.constant 98 : i32
    %mul3A_9 = arith.constant 6272 : i32
    %mul3A_10 = arith.muli %arg1, %mul3A_9 : i32
    %add3A_11 = arith.constant 0 : i32
    %add3A_12 = arith.addi %mul3A_10, %add3A_11 : i32
    "tpu.region"() ({
      %run_scoped3A = tpu.sem_alloc : memref<!tpu.dma_semaphore, #tpu.memory_space<semaphore_mem>>
      %dma_start3A_171 = tpu.memref_slice %arg12[%add3A_12] : memref<100352xf32, #tpu.memory_space<vmem_shared>> -> memref<1568xf32, #tpu.memory_space<vmem_shared>>
      %dma_start3A_172 = tpu.memref_slice %arg12[%add3A_12] : memref<100352xf32, #tpu.memory_space<vmem_shared>> -> memref<1568xf32, #tpu.memory_space<vmem_shared>>
      tpu.enqueue_dma source(%arg11 : memref<1568xf32, #tpu.memory_space<vmem>>) target(%dma_start3A_172 : memref<1568xf32, #tpu.memory_space<vmem_shared>>) target_semaphore(%run_scoped3A : memref<!tpu.dma_semaphore, #tpu.memory_space<semaphore_mem>>)
      %dma_wait3A_173 = tpu.memref_slice %arg12[%add3A_12] : memref<100352xf32, #tpu.memory_space<vmem_shared>> -> memref<1568xf32, #tpu.memory_space<vmem_shared>>
      %dma_wait3A_174 = tpu.memref_slice %arg12[%add3A_12] : memref<100352xf32, #tpu.memory_space<vmem_shared>> -> memref<1568xf32, #tpu.memory_space<vmem_shared>>
      tpu.wait_dma2 semaphore(%run_scoped3A : memref<!tpu.dma_semaphore, #tpu.memory_space<semaphore_mem>>) src(%arg11 : memref<1568xf32, #tpu.memory_space<vmem>>) dst(%dma_wait3A_174 : memref<1568xf32, #tpu.memory_space<vmem_shared>>)
      tpu.yield
    }) : () -> ()
    %mul3A_13 = arith.constant 6272 : i32
    %mul3A_14 = arith.muli %arg1, %mul3A_13 : i32
    %add3A_15 = arith.constant 1568 : i32
    %add3A_16 = arith.addi %mul3A_14, %add3A_15 : i32
    "tpu.region"() ({
      %run_scoped3A = tpu.sem_alloc : memref<!tpu.dma_semaphore, #tpu.memory_space<semaphore_mem>>
      %dma_start3A_171 = tpu.memref_slice %arg12[%add3A_16] : memref<100352xf32, #tpu.memory_space<vmem_shared>> -> memref<1568xf32, #tpu.memory_space<vmem_shared>>
      %dma_start3A_172 = tpu.memref_slice %arg12[%add3A_16] : memref<100352xf32, #tpu.memory_space<vmem_shared>> -> memref<1568xf32, #tpu.memory_space<vmem_shared>>
      tpu.enqueue_dma source(%arg11 : memref<1568xf32, #tpu.memory_space<vmem>>) target(%dma_start3A_172 : memref<1568xf32, #tpu.memory_space<vmem_shared>>) target_semaphore(%run_scoped3A : memref<!tpu.dma_semaphore, #tpu.memory_space<semaphore_mem>>)
      %dma_wait3A_173 = tpu.memref_slice %arg12[%add3A_16] : memref<100352xf32, #tpu.memory_space<vmem_shared>> -> memref<1568xf32, #tpu.memory_space<vmem_shared>>
      %dma_wait3A_174 = tpu.memref_slice %arg12[%add3A_16] : memref<100352xf32, #tpu.memory_space<vmem_shared>> -> memref<1568xf32, #tpu.memory_space<vmem_shared>>
      tpu.wait_dma2 semaphore(%run_scoped3A : memref<!tpu.dma_semaphore, #tpu.memory_space<semaphore_mem>>) src(%arg11 : memref<1568xf32, #tpu.memory_space<vmem>>) dst(%dma_wait3A_174 : memref<1568xf32, #tpu.memory_space<vmem_shared>>)
      tpu.yield
    }) : () -> ()
    %mul3A_17 = arith.constant 6272 : i32
    %mul3A_18 = arith.muli %arg1, %mul3A_17 : i32
    %add3A_19 = arith.constant 3136 : i32
    %add3A_20 = arith.addi %mul3A_18, %add3A_19 : i32
    "tpu.region"() ({
      %run_scoped3A = tpu.sem_alloc : memref<!tpu.dma_semaphore, #tpu.memory_space<semaphore_mem>>
      %dma_start3A_171 = tpu.memref_slice %arg12[%add3A_20] : memref<100352xf32, #tpu.memory_space<vmem_shared>> -> memref<1568xf32, #tpu.memory_space<vmem_shared>>
      %dma_start3A_172 = tpu.memref_slice %arg12[%add3A_20] : memref<100352xf32, #tpu.memory_space<vmem_shared>> -> memref<1568xf32, #tpu.memory_space<vmem_shared>>
      tpu.enqueue_dma source(%arg11 : memref<1568xf32, #tpu.memory_space<vmem>>) target(%dma_start3A_172 : memref<1568xf32, #tpu.memory_space<vmem_shared>>) target_semaphore(%run_scoped3A : memref<!tpu.dma_semaphore, #tpu.memory_space<semaphore_mem>>)
      %dma_wait3A_173 = tpu.memref_slice %arg12[%add3A_20] : memref<100352xf32, #tpu.memory_space<vmem_shared>> -> memref<1568xf32, #tpu.memory_space<vmem_shared>>
      %dma_wait3A_174 = tpu.memref_slice %arg12[%add3A_20] : memref<100352xf32, #tpu.memory_space<vmem_shared>> -> memref<1568xf32, #tpu.memory_space<vmem_shared>>
      tpu.wait_dma2 semaphore(%run_scoped3A : memref<!tpu.dma_semaphore, #tpu.memory_space<semaphore_mem>>) src(%arg11 : memref<1568xf32, #tpu.memory_space<vmem>>) dst(%dma_wait3A_174 : memref<1568xf32, #tpu.memory_space<vmem_shared>>)
      tpu.yield
    }) : () -> ()
    %mul3A_21 = arith.constant 6272 : i32
    %mul3A_22 = arith.muli %arg1, %mul3A_21 : i32
    %add3A_23 = arith.constant 4704 : i32
    %add3A_24 = arith.addi %mul3A_22, %add3A_23 : i32
    "tpu.region"() ({
      %run_scoped3A = tpu.sem_alloc : memref<!tpu.dma_semaphore, #tpu.memory_space<semaphore_mem>>
      %dma_start3A_171 = tpu.memref_slice %arg12[%add3A_24] : memref<100352xf32, #tpu.memory_space<vmem_shared>> -> memref<1568xf32, #tpu.memory_space<vmem_shared>>
      %dma_start3A_172 = tpu.memref_slice %arg12[%add3A_24] : memref<100352xf32, #tpu.memory_space<vmem_shared>> -> memref<1568xf32, #tpu.memory_space<vmem_shared>>
      tpu.enqueue_dma source(%arg11 : memref<1568xf32, #tpu.memory_space<vmem>>) target(%dma_start3A_172 : memref<1568xf32, #tpu.memory_space<vmem_shared>>) target_semaphore(%run_scoped3A : memref<!tpu.dma_semaphore, #tpu.memory_space<semaphore_mem>>)
      %dma_wait3A_173 = tpu.memref_slice %arg12[%add3A_24] : memref<100352xf32, #tpu.memory_space<vmem_shared>> -> memref<1568xf32, #tpu.memory_space<vmem_shared>>
      %dma_wait3A_174 = tpu.memref_slice %arg12[%add3A_24] : memref<100352xf32, #tpu.memory_space<vmem_shared>> -> memref<1568xf32, #tpu.memory_space<vmem_shared>>
      tpu.wait_dma2 semaphore(%run_scoped3A : memref<!tpu.dma_semaphore, #tpu.memory_space<semaphore_mem>>) src(%arg11 : memref<1568xf32, #tpu.memory_space<vmem>>) dst(%dma_wait3A_174 : memref<1568xf32, #tpu.memory_space<vmem_shared>>)
      tpu.yield
    }) : () -> ()
    %barrier3A = arith.constant 0 : index
    tpu.barrier barrier_id(%barrier3A)
    "tpu.region"() ({
      %run_scoped3A = tpu.sem_alloc : memref<!tpu.dma_semaphore, #tpu.memory_space<semaphore_mem>>
      tpu.enqueue_dma source(%arg13 : memref<100000xf32, #tpu.memory_space<vmem_shared>>) target(%arg7 : memref<100000xf32, #tpu.memory_space<vmem>>) target_semaphore(%run_scoped3A : memref<!tpu.dma_semaphore, #tpu.memory_space<semaphore_mem>>)
      tpu.wait_dma2 semaphore(%run_scoped3A : memref<!tpu.dma_semaphore, #tpu.memory_space<semaphore_mem>>) src(%arg13 : memref<100000xf32, #tpu.memory_space<vmem_shared>>) dst(%arg7 : memref<100000xf32, #tpu.memory_space<vmem>>)
      tpu.yield
    }) : () -> ()
    %lt3A = arith.constant 8 : i32
    %lt3A_25 = arith.cmpi slt, %add3A, %lt3A : i32
    %jit3A = arith.constant 1 : i32
    %jit3A_26 = arith.constant 0 : i32
    %select_n3A = arith.select %lt3A_25, %jit3A, %jit3A_26 : i32
    %add3A_27 = arith.constant 156 : i32
    %add3A_28 = arith.addi %add3A_27, %select_n3A : i32
    %add3A_29 = arith.constant 0 : i32
    %add3A_30 = arith.addi %add3A, %add3A_29 : i32
    %mul3A_31 = arith.constant 10 : i32
    %mul3A_32 = arith.muli %add3A_30, %mul3A_31 : i32
    %mul3A_33 = arith.constant 128 : i32
    %mul3A_34 = arith.muli %mul3A_32, %mul3A_33 : i32
    %dma_start3A = arith.constant 0 : i32
    %dma_start3A_35 = arith.constant 0 : i32
    %dma_start3A_36 = arith.constant 0 : i32
    %dma_start3A_37 = arith.constant 0 : i32
    %dma_start3A_38 = tpu.memref_slice %arg8[%dma_start3A, %dma_start3A_37] : memref<4x1280xi32, #tpu.memory_space<vmem>> -> memref<1x1280xi32, #tpu.memory_space<vmem>>
    %dma_start3A_39 = tpu.memref_squeeze %dma_start3A_38 : memref<1x1280xi32, #tpu.memory_space<vmem>> -> memref<1280xi32, #tpu.memory_space<vmem>>
    %dma_start3A_40 = tpu.memref_slice %arg2[%mul3A_34] : memref<6400000xi32, #tpu.memory_space<hbm>> -> memref<1280xi32, #tpu.memory_space<hbm>>
    %dma_start3A_41 = tpu.memref_slice %arg14[%dma_start3A_35, %dma_start3A_36] : memref<4x3x!tpu.dma_semaphore, #tpu.memory_space<semaphore_mem>> -> memref<1x1x!tpu.dma_semaphore, #tpu.memory_space<semaphore_mem>>
    %dma_start3A_42 = tpu.memref_squeeze %dma_start3A_41 : memref<1x1x!tpu.dma_semaphore, #tpu.memory_space<semaphore_mem>> -> memref<!tpu.dma_semaphore, #tpu.memory_space<semaphore_mem>>
    %dma_start3A_43 = arith.constant 0 : i32
    %dma_start3A_44 = tpu.memref_slice %arg8[%dma_start3A, %dma_start3A_43] : memref<4x1280xi32, #tpu.memory_space<vmem>> -> memref<1x1280xi32, #tpu.memory_space<vmem>>
    %dma_start3A_45 = tpu.memref_squeeze %dma_start3A_44 : memref<1x1280xi32, #tpu.memory_space<vmem>> -> memref<1280xi32, #tpu.memory_space<vmem>>
    %dma_start3A_46 = tpu.memref_slice %arg2[%mul3A_34] : memref<6400000xi32, #tpu.memory_space<hbm>> -> memref<1280xi32, #tpu.memory_space<hbm>>
    tpu.enqueue_dma source(%dma_start3A_46 : memref<1280xi32, #tpu.memory_space<hbm>>) target(%dma_start3A_45 : memref<1280xi32, #tpu.memory_space<vmem>>) target_semaphore(%dma_start3A_42 : memref<!tpu.dma_semaphore, #tpu.memory_space<semaphore_mem>>)
    %dma_start3A_47 = arith.constant 0 : i32
    %dma_start3A_48 = arith.constant 0 : i32
    %dma_start3A_49 = arith.constant 1 : i32
    %dma_start3A_50 = arith.constant 0 : i32
    %dma_start3A_51 = arith.constant 0 : i32
    %dma_start3A_52 = tpu.memref_slice %arg9[%dma_start3A_47, %dma_start3A_50, %dma_start3A_51] : memref<4x10x128xi32, #tpu.memory_space<vmem>> -> memref<1x10x128xi32, #tpu.memory_space<vmem>>
    %dma_start3A_53 = tpu.memref_squeeze %dma_start3A_52 : memref<1x10x128xi32, #tpu.memory_space<vmem>> -> memref<10x128xi32, #tpu.memory_space<vmem>>
    %dma_start3A_54 = arith.constant 0 : i32
    %dma_start3A_55 = tpu.memref_slice %arg3[%mul3A_32, %dma_start3A_54] : memref<50000x128xi32, #tpu.memory_space<hbm>> -> memref<10x128xi32, #tpu.memory_space<hbm>>
    %dma_start3A_56 = tpu.memref_slice %arg14[%dma_start3A_48, %dma_start3A_49] : memref<4x3x!tpu.dma_semaphore, #tpu.memory_space<semaphore_mem>> -> memref<1x1x!tpu.dma_semaphore, #tpu.memory_space<semaphore_mem>>
    %dma_start3A_57 = tpu.memref_squeeze %dma_start3A_56 : memref<1x1x!tpu.dma_semaphore, #tpu.memory_space<semaphore_mem>> -> memref<!tpu.dma_semaphore, #tpu.memory_space<semaphore_mem>>
    %dma_start3A_58 = arith.constant 0 : i32
    %dma_start3A_59 = arith.constant 0 : i32
    %dma_start3A_60 = tpu.memref_slice %arg9[%dma_start3A_47, %dma_start3A_58, %dma_start3A_59] : memref<4x10x128xi32, #tpu.memory_space<vmem>> -> memref<1x10x128xi32, #tpu.memory_space<vmem>>
    %dma_start3A_61 = tpu.memref_squeeze %dma_start3A_60 : memref<1x10x128xi32, #tpu.memory_space<vmem>> -> memref<10x128xi32, #tpu.memory_space<vmem>>
    %dma_start3A_62 = arith.constant 0 : i32
    %dma_start3A_63 = tpu.memref_slice %arg3[%mul3A_32, %dma_start3A_62] : memref<50000x128xi32, #tpu.memory_space<hbm>> -> memref<10x128xi32, #tpu.memory_space<hbm>>
    tpu.enqueue_dma source(%dma_start3A_63 : memref<10x128xi32, #tpu.memory_space<hbm>>) target(%dma_start3A_61 : memref<10x128xi32, #tpu.memory_space<vmem>>) target_semaphore(%dma_start3A_57 : memref<!tpu.dma_semaphore, #tpu.memory_space<semaphore_mem>>)
    %dma_start3A_64 = arith.constant 0 : i32
    %dma_start3A_65 = arith.constant 0 : i32
    %dma_start3A_66 = arith.constant 2 : i32
    %dma_start3A_67 = arith.constant 0 : i32
    %dma_start3A_68 = tpu.memref_slice %arg10[%dma_start3A_64, %dma_start3A_67] : memref<4x1280xf32, #tpu.memory_space<vmem>> -> memref<1x1280xf32, #tpu.memory_space<vmem>>
    %dma_start3A_69 = tpu.memref_squeeze %dma_start3A_68 : memref<1x1280xf32, #tpu.memory_space<vmem>> -> memref<1280xf32, #tpu.memory_space<vmem>>
    %dma_start3A_70 = tpu.memref_slice %arg4[%mul3A_34] : memref<6400000xf32, #tpu.memory_space<hbm>> -> memref<1280xf32, #tpu.memory_space<hbm>>
    %dma_start3A_71 = tpu.memref_slice %arg14[%dma_start3A_65, %dma_start3A_66] : memref<4x3x!tpu.dma_semaphore, #tpu.memory_space<semaphore_mem>> -> memref<1x1x!tpu.dma_semaphore, #tpu.memory_space<semaphore_mem>>
    %dma_start3A_72 = tpu.memref_squeeze %dma_start3A_71 : memref<1x1x!tpu.dma_semaphore, #tpu.memory_space<semaphore_mem>> -> memref<!tpu.dma_semaphore, #tpu.memory_space<semaphore_mem>>
    %dma_start3A_73 = arith.constant 0 : i32
    %dma_start3A_74 = tpu.memref_slice %arg10[%dma_start3A_64, %dma_start3A_73] : memref<4x1280xf32, #tpu.memory_space<vmem>> -> memref<1x1280xf32, #tpu.memory_space<vmem>>
    %dma_start3A_75 = tpu.memref_squeeze %dma_start3A_74 : memref<1x1280xf32, #tpu.memory_space<vmem>> -> memref<1280xf32, #tpu.memory_space<vmem>>
    %dma_start3A_76 = tpu.memref_slice %arg4[%mul3A_34] : memref<6400000xf32, #tpu.memory_space<hbm>> -> memref<1280xf32, #tpu.memory_space<hbm>>
    tpu.enqueue_dma source(%dma_start3A_76 : memref<1280xf32, #tpu.memory_space<hbm>>) target(%dma_start3A_75 : memref<1280xf32, #tpu.memory_space<vmem>>) target_semaphore(%dma_start3A_72 : memref<!tpu.dma_semaphore, #tpu.memory_space<semaphore_mem>>)
    %add3A_77 = arith.constant 32 : i32
    %add3A_78 = arith.addi %add3A, %add3A_77 : i32
    %mul3A_79 = arith.constant 10 : i32
    %mul3A_80 = arith.muli %add3A_78, %mul3A_79 : i32
    %mul3A_81 = arith.constant 128 : i32
    %mul3A_82 = arith.muli %mul3A_80, %mul3A_81 : i32
    %dma_start3A_83 = arith.constant 1 : i32
    %dma_start3A_84 = arith.constant 1 : i32
    %dma_start3A_85 = arith.constant 0 : i32
    %dma_start3A_86 = arith.constant 0 : i32
    %dma_start3A_87 = tpu.memref_slice %arg8[%dma_start3A_83, %dma_start3A_86] : memref<4x1280xi32, #tpu.memory_space<vmem>> -> memref<1x1280xi32, #tpu.memory_space<vmem>>
    %dma_start3A_88 = tpu.memref_squeeze %dma_start3A_87 : memref<1x1280xi32, #tpu.memory_space<vmem>> -> memref<1280xi32, #tpu.memory_space<vmem>>
    %dma_start3A_89 = tpu.memref_slice %arg2[%mul3A_82] : memref<6400000xi32, #tpu.memory_space<hbm>> -> memref<1280xi32, #tpu.memory_space<hbm>>
    %dma_start3A_90 = tpu.memref_slice %arg14[%dma_start3A_84, %dma_start3A_85] : memref<4x3x!tpu.dma_semaphore, #tpu.memory_space<semaphore_mem>> -> memref<1x1x!tpu.dma_semaphore, #tpu.memory_space<semaphore_mem>>
    %dma_start3A_91 = tpu.memref_squeeze %dma_start3A_90 : memref<1x1x!tpu.dma_semaphore, #tpu.memory_space<semaphore_mem>> -> memref<!tpu.dma_semaphore, #tpu.memory_space<semaphore_mem>>
    %dma_start3A_92 = arith.constant 0 : i32
    %dma_start3A_93 = tpu.memref_slice %arg8[%dma_start3A_83, %dma_start3A_92] : memref<4x1280xi32, #tpu.memory_space<vmem>> -> memref<1x1280xi32, #tpu.memory_space<vmem>>
    %dma_start3A_94 = tpu.memref_squeeze %dma_start3A_93 : memref<1x1280xi32, #tpu.memory_space<vmem>> -> memref<1280xi32, #tpu.memory_space<vmem>>
    %dma_start3A_95 = tpu.memref_slice %arg2[%mul3A_82] : memref<6400000xi32, #tpu.memory_space<hbm>> -> memref<1280xi32, #tpu.memory_space<hbm>>
    tpu.enqueue_dma source(%dma_start3A_95 : memref<1280xi32, #tpu.memory_space<hbm>>) target(%dma_start3A_94 : memref<1280xi32, #tpu.memory_space<vmem>>) target_semaphore(%dma_start3A_91 : memref<!tpu.dma_semaphore, #tpu.memory_space<semaphore_mem>>)
    %dma_start3A_96 = arith.constant 1 : i32
    %dma_start3A_97 = arith.constant 1 : i32
    %dma_start3A_98 = arith.constant 1 : i32
    %dma_start3A_99 = arith.constant 0 : i32
    %dma_start3A_100 = arith.constant 0 : i32
    %dma_start3A_101 = tpu.memref_slice %arg9[%dma_start3A_96, %dma_start3A_99, %dma_start3A_100] : memref<4x10x128xi32, #tpu.memory_space<vmem>> -> memref<1x10x128xi32, #tpu.memory_space<vmem>>
    %dma_start3A_102 = tpu.memref_squeeze %dma_start3A_101 : memref<1x10x128xi32, #tpu.memory_space<vmem>> -> memref<10x128xi32, #tpu.memory_space<vmem>>
    %dma_start3A_103 = arith.constant 0 : i32
    %dma_start3A_104 = tpu.memref_slice %arg3[%mul3A_80, %dma_start3A_103] : memref<50000x128xi32, #tpu.memory_space<hbm>> -> memref<10x128xi32, #tpu.memory_space<hbm>>
    %dma_start3A_105 = tpu.memref_slice %arg14[%dma_start3A_97, %dma_start3A_98] : memref<4x3x!tpu.dma_semaphore, #tpu.memory_space<semaphore_mem>> -> memref<1x1x!tpu.dma_semaphore, #tpu.memory_space<semaphore_mem>>
    %dma_start3A_106 = tpu.memref_squeeze %dma_start3A_105 : memref<1x1x!tpu.dma_semaphore, #tpu.memory_space<semaphore_mem>> -> memref<!tpu.dma_semaphore, #tpu.memory_space<semaphore_mem>>
    %dma_start3A_107 = arith.constant 0 : i32
    %dma_start3A_108 = arith.constant 0 : i32
    %dma_start3A_109 = tpu.memref_slice %arg9[%dma_start3A_96, %dma_start3A_107, %dma_start3A_108] : memref<4x10x128xi32, #tpu.memory_space<vmem>> -> memref<1x10x128xi32, #tpu.memory_space<vmem>>
    %dma_start3A_110 = tpu.memref_squeeze %dma_start3A_109 : memref<1x10x128xi32, #tpu.memory_space<vmem>> -> memref<10x128xi32, #tpu.memory_space<vmem>>
    %dma_start3A_111 = arith.constant 0 : i32
    %dma_start3A_112 = tpu.memref_slice %arg3[%mul3A_80, %dma_start3A_111] : memref<50000x128xi32, #tpu.memory_space<hbm>> -> memref<10x128xi32, #tpu.memory_space<hbm>>
    tpu.enqueue_dma source(%dma_start3A_112 : memref<10x128xi32, #tpu.memory_space<hbm>>) target(%dma_start3A_110 : memref<10x128xi32, #tpu.memory_space<vmem>>) target_semaphore(%dma_start3A_106 : memref<!tpu.dma_semaphore, #tpu.memory_space<semaphore_mem>>)
    %dma_start3A_113 = arith.constant 1 : i32
    %dma_start3A_114 = arith.constant 1 : i32
    %dma_start3A_115 = arith.constant 2 : i32
    %dma_start3A_116 = arith.constant 0 : i32
    %dma_start3A_117 = tpu.memref_slice %arg10[%dma_start3A_113, %dma_start3A_116] : memref<4x1280xf32, #tpu.memory_space<vmem>> -> memref<1x1280xf32, #tpu.memory_space<vmem>>
    %dma_start3A_118 = tpu.memref_squeeze %dma_start3A_117 : memref<1x1280xf32, #tpu.memory_space<vmem>> -> memref<1280xf32, #tpu.memory_space<vmem>>
    %dma_start3A_119 = tpu.memref_slice %arg4[%mul3A_82] : memref<6400000xf32, #tpu.memory_space<hbm>> -> memref<1280xf32, #tpu.memory_space<hbm>>
    %dma_start3A_120 = tpu.memref_slice %arg14[%dma_start3A_114, %dma_start3A_115] : memref<4x3x!tpu.dma_semaphore, #tpu.memory_space<semaphore_mem>> -> memref<1x1x!tpu.dma_semaphore, #tpu.memory_space<semaphore_mem>>
    %dma_start3A_121 = tpu.memref_squeeze %dma_start3A_120 : memref<1x1x!tpu.dma_semaphore, #tpu.memory_space<semaphore_mem>> -> memref<!tpu.dma_semaphore, #tpu.memory_space<semaphore_mem>>
    %dma_start3A_122 = arith.constant 0 : i32
    %dma_start3A_123 = tpu.memref_slice %arg10[%dma_start3A_113, %dma_start3A_122] : memref<4x1280xf32, #tpu.memory_space<vmem>> -> memref<1x1280xf32, #tpu.memory_space<vmem>>
    %dma_start3A_124 = tpu.memref_squeeze %dma_start3A_123 : memref<1x1280xf32, #tpu.memory_space<vmem>> -> memref<1280xf32, #tpu.memory_space<vmem>>
    %dma_start3A_125 = tpu.memref_slice %arg4[%mul3A_82] : memref<6400000xf32, #tpu.memory_space<hbm>> -> memref<1280xf32, #tpu.memory_space<hbm>>
    tpu.enqueue_dma source(%dma_start3A_125 : memref<1280xf32, #tpu.memory_space<hbm>>) target(%dma_start3A_124 : memref<1280xf32, #tpu.memory_space<vmem>>) target_semaphore(%dma_start3A_121 : memref<!tpu.dma_semaphore, #tpu.memory_space<semaphore_mem>>)
    %while3A = arith.constant 0 : i32
    %while3A_126 = arith.constant 0 : i32
    %while3A_127 = arith.subi %add3A_28, %while3A : i32
    %while3A_128 = arith.addi %while3A, %while3A_127 : i32
    %while3A_129 = arith.constant 1 : i32
    %while3A_130 = arith.divsi %while3A_127, %while3A_129 : i32
    %while3A_131 = arith.muli %while3A_130, %while3A_129 : i32
    %while3A_132 = arith.addi %while3A, %while3A_131 : i32
    %while3A_133 = arith.constant 1 : i32
    %while3A_134 = scf.for %while3A_171 = %while3A to %while3A_132 step %while3A_133 iter_args(%while3A_172 = %while3A_126) -> (i32)  : i32 {
      %rem3A_173 = arith.constant 4 : i32
      %rem3A_174 = arith.remsi %while3A_171, %rem3A_173 : i32
      %add3A_175 = arith.constant 2 : i32
      %add3A_176 = arith.addi %while3A_171, %add3A_175 : i32
      %rem3A_177 = arith.constant 4 : i32
      %rem3A_178 = arith.remsi %add3A_176, %rem3A_177 : i32
      %mul3A_179 = arith.constant 32 : i32
      %mul3A_180 = arith.muli %while3A_171, %mul3A_179 : i32
      %add3A_181 = arith.addi %add3A, %mul3A_180 : i32
      %mul3A_182 = arith.constant 10 : i32
      %mul3A_183 = arith.muli %add3A_181, %mul3A_182 : i32
      %mul3A_184 = arith.constant 128 : i32
      %mul3A_185 = arith.muli %mul3A_183, %mul3A_184 : i32
      %dma_wait3A_186 = arith.constant 0 : i32
      %dma_wait3A_187 = arith.constant 0 : i32
      %dma_wait3A_188 = tpu.memref_slice %arg8[%rem3A_174, %dma_wait3A_187] : memref<4x1280xi32, #tpu.memory_space<vmem>> -> memref<1x1280xi32, #tpu.memory_space<vmem>>
      %dma_wait3A_189 = tpu.memref_squeeze %dma_wait3A_188 : memref<1x1280xi32, #tpu.memory_space<vmem>> -> memref<1280xi32, #tpu.memory_space<vmem>>
      %dma_wait3A_190 = tpu.memref_slice %arg2[%mul3A_185] : memref<6400000xi32, #tpu.memory_space<hbm>> -> memref<1280xi32, #tpu.memory_space<hbm>>
      %dma_wait3A_191 = tpu.memref_slice %arg14[%rem3A_174, %dma_wait3A_186] : memref<4x3x!tpu.dma_semaphore, #tpu.memory_space<semaphore_mem>> -> memref<1x1x!tpu.dma_semaphore, #tpu.memory_space<semaphore_mem>>
      %dma_wait3A_192 = tpu.memref_squeeze %dma_wait3A_191 : memref<1x1x!tpu.dma_semaphore, #tpu.memory_space<semaphore_mem>> -> memref<!tpu.dma_semaphore, #tpu.memory_space<semaphore_mem>>
      %dma_wait3A_193 = arith.constant 0 : i32
      %dma_wait3A_194 = tpu.memref_slice %arg8[%rem3A_174, %dma_wait3A_193] : memref<4x1280xi32, #tpu.memory_space<vmem>> -> memref<1x1280xi32, #tpu.memory_space<vmem>>
      %dma_wait3A_195 = tpu.memref_squeeze %dma_wait3A_194 : memref<1x1280xi32, #tpu.memory_space<vmem>> -> memref<1280xi32, #tpu.memory_space<vmem>>
      %dma_wait3A_196 = tpu.memref_slice %arg2[%mul3A_185] : memref<6400000xi32, #tpu.memory_space<hbm>> -> memref<1280xi32, #tpu.memory_space<hbm>>
      tpu.wait_dma2 semaphore(%dma_wait3A_192 : memref<!tpu.dma_semaphore, #tpu.memory_space<semaphore_mem>>) src(%dma_wait3A_196 : memref<1280xi32, #tpu.memory_space<hbm>>) dst(%dma_wait3A_195 : memref<1280xi32, #tpu.memory_space<vmem>>)
      %dma_wait3A_197 = arith.constant 1 : i32
      %dma_wait3A_198 = arith.constant 0 : i32
      %dma_wait3A_199 = arith.constant 0 : i32
      %dma_wait3A_200 = tpu.memref_slice %arg9[%rem3A_174, %dma_wait3A_198, %dma_wait3A_199] : memref<4x10x128xi32, #tpu.memory_space<vmem>> -> memref<1x10x128xi32, #tpu.memory_space<vmem>>
      %dma_wait3A_201 = tpu.memref_squeeze %dma_wait3A_200 : memref<1x10x128xi32, #tpu.memory_space<vmem>> -> memref<10x128xi32, #tpu.memory_space<vmem>>
      %dma_wait3A_202 = arith.constant 0 : i32
      %dma_wait3A_203 = tpu.memref_slice %arg3[%mul3A_183, %dma_wait3A_202] : memref<50000x128xi32, #tpu.memory_space<hbm>> -> memref<10x128xi32, #tpu.memory_space<hbm>>
      %dma_wait3A_204 = tpu.memref_slice %arg14[%rem3A_174, %dma_wait3A_197] : memref<4x3x!tpu.dma_semaphore, #tpu.memory_space<semaphore_mem>> -> memref<1x1x!tpu.dma_semaphore, #tpu.memory_space<semaphore_mem>>
      %dma_wait3A_205 = tpu.memref_squeeze %dma_wait3A_204 : memref<1x1x!tpu.dma_semaphore, #tpu.memory_space<semaphore_mem>> -> memref<!tpu.dma_semaphore, #tpu.memory_space<semaphore_mem>>
      %dma_wait3A_206 = arith.constant 0 : i32
      %dma_wait3A_207 = arith.constant 0 : i32
      %dma_wait3A_208 = tpu.memref_slice %arg9[%rem3A_174, %dma_wait3A_206, %dma_wait3A_207] : memref<4x10x128xi32, #tpu.memory_space<vmem>> -> memref<1x10x128xi32, #tpu.memory_space<vmem>>
      %dma_wait3A_209 = tpu.memref_squeeze %dma_wait3A_208 : memref<1x10x128xi32, #tpu.memory_space<vmem>> -> memref<10x128xi32, #tpu.memory_space<vmem>>
      %dma_wait3A_210 = arith.constant 0 : i32
      %dma_wait3A_211 = tpu.memref_slice %arg3[%mul3A_183, %dma_wait3A_210] : memref<50000x128xi32, #tpu.memory_space<hbm>> -> memref<10x128xi32, #tpu.memory_space<hbm>>
      tpu.wait_dma2 semaphore(%dma_wait3A_205 : memref<!tpu.dma_semaphore, #tpu.memory_space<semaphore_mem>>) src(%dma_wait3A_211 : memref<10x128xi32, #tpu.memory_space<hbm>>) dst(%dma_wait3A_209 : memref<10x128xi32, #tpu.memory_space<vmem>>)
      %dma_wait3A_212 = arith.constant 2 : i32
      %dma_wait3A_213 = arith.constant 0 : i32
      %dma_wait3A_214 = tpu.memref_slice %arg10[%rem3A_174, %dma_wait3A_213] : memref<4x1280xf32, #tpu.memory_space<vmem>> -> memref<1x1280xf32, #tpu.memory_space<vmem>>
      %dma_wait3A_215 = tpu.memref_squeeze %dma_wait3A_214 : memref<1x1280xf32, #tpu.memory_space<vmem>> -> memref<1280xf32, #tpu.memory_space<vmem>>
      %dma_wait3A_216 = tpu.memref_slice %arg4[%mul3A_185] : memref<6400000xf32, #tpu.memory_space<hbm>> -> memref<1280xf32, #tpu.memory_space<hbm>>
      %dma_wait3A_217 = tpu.memref_slice %arg14[%rem3A_174, %dma_wait3A_212] : memref<4x3x!tpu.dma_semaphore, #tpu.memory_space<semaphore_mem>> -> memref<1x1x!tpu.dma_semaphore, #tpu.memory_space<semaphore_mem>>
      %dma_wait3A_218 = tpu.memref_squeeze %dma_wait3A_217 : memref<1x1x!tpu.dma_semaphore, #tpu.memory_space<semaphore_mem>> -> memref<!tpu.dma_semaphore, #tpu.memory_space<semaphore_mem>>
      %dma_wait3A_219 = arith.constant 0 : i32
      %dma_wait3A_220 = tpu.memref_slice %arg10[%rem3A_174, %dma_wait3A_219] : memref<4x1280xf32, #tpu.memory_space<vmem>> -> memref<1x1280xf32, #tpu.memory_space<vmem>>
      %dma_wait3A_221 = tpu.memref_squeeze %dma_wait3A_220 : memref<1x1280xf32, #tpu.memory_space<vmem>> -> memref<1280xf32, #tpu.memory_space<vmem>>
      %dma_wait3A_222 = tpu.memref_slice %arg4[%mul3A_185] : memref<6400000xf32, #tpu.memory_space<hbm>> -> memref<1280xf32, #tpu.memory_space<hbm>>
      tpu.wait_dma2 semaphore(%dma_wait3A_218 : memref<!tpu.dma_semaphore, #tpu.memory_space<semaphore_mem>>) src(%dma_wait3A_222 : memref<1280xf32, #tpu.memory_space<hbm>>) dst(%dma_wait3A_221 : memref<1280xf32, #tpu.memory_space<vmem>>)
      %parallel_loop3A = arith.constant 0 : i32
      %parallel_loop3A_223 = arith.constant 1280 : i32
      %parallel_loop3A_224 = arith.constant 16 : i32
      scf.for %parallel_loop3A_243 = %parallel_loop3A to %parallel_loop3A_223 step %parallel_loop3A_224  : i32 {
        %parallel_loop3A_244 = arith.index_cast %rem3A_174 : i32 to index
        %parallel_loop3A_245 = arith.index_cast %parallel_loop3A_243 : i32 to index
        %parallel_loop3A_246 = tpu.vector_load %arg8[%parallel_loop3A_244, %parallel_loop3A_245] {strides = array<i32>} : memref<4x1280xi32, #tpu.memory_space<vmem>>, vector<16xi32>,
        %parallel_loop3A_247 = tpu.vector_load_idx %arg7[%parallel_loop3A_246] : memref<100000xf32, #tpu.memory_space<vmem>>[vector<16xi32>], vector<16xf32>,
        %parallel_loop3A_248 = arith.index_cast %rem3A_174 : i32 to index
        %parallel_loop3A_249 = arith.index_cast %parallel_loop3A_243 : i32 to index
        %parallel_loop3A_250 = tpu.vector_load %arg10[%parallel_loop3A_248, %parallel_loop3A_249] {strides = array<i32>} : memref<4x1280xf32, #tpu.memory_space<vmem>>, vector<16xf32>,
        %parallel_loop3A_251 = arith.mulf %parallel_loop3A_247, %parallel_loop3A_250 : vector<16xf32>
        %parallel_loop3A_252 = arith.index_cast %rem3A_174 : i32 to index
        %parallel_loop3A_253 = arith.index_cast %parallel_loop3A_243 : i32 to index
        %parallel_loop3A_254 = tpu.vector_load %arg10[%parallel_loop3A_252, %parallel_loop3A_253] {strides = array<i32>} : memref<4x1280xf32, #tpu.memory_space<vmem>>, vector<16xf32>,
        tpu.vector_store %arg10[%parallel_loop3A_252, %parallel_loop3A_253], %parallel_loop3A_251 {strides = array<i32>} : memref<4x1280xf32, #tpu.memory_space<vmem>>, vector<16xf32>,
      } {sc.loop_unroll_factor = 8 : i64, sc.parallel_access}
      %scan3A_225 = arith.constant 0 : i32
      %scan3A_226 = arith.constant 0 : i32
      %scan3A_227 = arith.constant 10 : i32
      %scan3A_228 = arith.addi %scan3A_226, %scan3A_227 : i32
      %scan3A_229 = arith.constant 1 : i32
      %scan3A_230 = scf.for %scan3A_243 = %scan3A_226 to %scan3A_228 step %scan3A_229 iter_args(%scan3A_244 = %scan3A_225) -> (i32)  : i32 {
        %mul3A_245 = arith.constant 128 : i32
        %mul3A_246 = arith.muli %scan3A_243, %mul3A_245 : i32
        %dma_start3A_247 = tpu.memref_slice %arg10[%rem3A_174, %mul3A_246] : memref<4x1280xf32, #tpu.memory_space<vmem>> -> memref<1x128xf32, #tpu.memory_space<vmem>>
        %dma_start3A_248 = tpu.memref_squeeze %dma_start3A_247 : memref<1x128xf32, #tpu.memory_space<vmem>> -> memref<128xf32, #tpu.memory_space<vmem>>
        %dma_start3A_249 = arith.constant 0 : i32
        %dma_start3A_250 = tpu.memref_slice %arg9[%rem3A_174, %scan3A_243, %dma_start3A_249] : memref<4x10x128xi32, #tpu.memory_space<vmem>> -> memref<1x1x128xi32, #tpu.memory_space<vmem>>
        %dma_start3A_251 = tpu.memref_squeeze %dma_start3A_250 : memref<1x1x128xi32, #tpu.memory_space<vmem>> -> memref<128xi32, #tpu.memory_space<vmem>>
        %dma_start3A_252 = arith.constant 0 : i32
        %dma_start3A_253 = tpu.memref_slice %arg12[%dma_start3A_252] : memref<100352xf32, #tpu.memory_space<vmem_shared>> -> memref<100352xf32, #tpu.memory_space<vmem_shared>>
        %dma_start3A_254 = tpu.memref_slice %arg15[%rem3A_174] : memref<4x!tpu.dma_semaphore, #tpu.memory_space<semaphore_mem>> -> memref<1x!tpu.dma_semaphore, #tpu.memory_space<semaphore_mem>>
        %dma_start3A_255 = tpu.memref_squeeze %dma_start3A_254 : memref<1x!tpu.dma_semaphore, #tpu.memory_space<semaphore_mem>> -> memref<!tpu.dma_semaphore, #tpu.memory_space<semaphore_mem>>
        tpu.enqueue_indirect_dma source(%dma_start3A_248 : memref<128xf32, #tpu.memory_space<vmem>>) target(%dma_start3A_253 : memref<100352xf32, #tpu.memory_space<vmem_shared>>) offsets(%dma_start3A_251 : memref<128xi32, #tpu.memory_space<vmem>>) semaphore(%dma_start3A_255 : memref<!tpu.dma_semaphore, #tpu.memory_space<semaphore_mem>>) {add = true}
        %scan3A_256 = arith.constant 0 : i32
        scf.yield %scan3A_256 : i32
      }
      %scan3A_231 = arith.constant 10 : i32
      %ge3A = arith.constant 2 : i32
      %ge3A_232 = arith.cmpi sge, %while3A_171, %ge3A : i32
      %convert_element_type3A_233 = arith.extui %ge3A_232 : i1 to i32
      %cond3A_234 = arith.constant 0 : i32
      %cond3A_235 = arith.cmpi ne, %convert_element_type3A_233, %cond3A_234 : i32
      scf.if %cond3A_235 {
        %dma_wait3A_243 = arith.constant 0 : i32
        %dma_wait3A_244 = tpu.memref_slice %arg8[%rem3A_178, %dma_wait3A_243] : memref<4x1280xi32, #tpu.memory_space<vmem>> -> memref<1x1280xi32, #tpu.memory_space<vmem>>
        %dma_wait3A_245 = tpu.memref_squeeze %dma_wait3A_244 : memref<1x1280xi32, #tpu.memory_space<vmem>> -> memref<1280xi32, #tpu.memory_space<vmem>>
        %dma_wait3A_246 = arith.constant 0 : i32
        %dma_wait3A_247 = tpu.memref_slice %arg2[%dma_wait3A_246] : memref<6400000xi32, #tpu.memory_space<hbm>> -> memref<1280xi32, #tpu.memory_space<hbm>>
        %dma_wait3A_248 = tpu.memref_slice %arg15[%rem3A_178] : memref<4x!tpu.dma_semaphore, #tpu.memory_space<semaphore_mem>> -> memref<1x!tpu.dma_semaphore, #tpu.memory_space<semaphore_mem>>
        %dma_wait3A_249 = tpu.memref_squeeze %dma_wait3A_248 : memref<1x!tpu.dma_semaphore, #tpu.memory_space<semaphore_mem>> -> memref<!tpu.dma_semaphore, #tpu.memory_space<semaphore_mem>>
        %dma_wait3A_250 = arith.constant 0 : i32
        %dma_wait3A_251 = tpu.memref_slice %arg8[%rem3A_178, %dma_wait3A_250] : memref<4x1280xi32, #tpu.memory_space<vmem>> -> memref<1x1280xi32, #tpu.memory_space<vmem>>
        %dma_wait3A_252 = tpu.memref_squeeze %dma_wait3A_251 : memref<1x1280xi32, #tpu.memory_space<vmem>> -> memref<1280xi32, #tpu.memory_space<vmem>>
        %dma_wait3A_253 = arith.constant 0 : i32
        %dma_wait3A_254 = tpu.memref_slice %arg2[%dma_wait3A_253] : memref<6400000xi32, #tpu.memory_space<hbm>> -> memref<1280xi32, #tpu.memory_space<hbm>>
        tpu.wait_dma2 semaphore(%dma_wait3A_249 : memref<!tpu.dma_semaphore, #tpu.memory_space<semaphore_mem>>) src(%dma_wait3A_254 : memref<1280xi32, #tpu.memory_space<hbm>>) dst(%dma_wait3A_252 : memref<1280xi32, #tpu.memory_space<vmem>>)
      } else {
      }
      %sub3A_236 = arith.constant 2 : i32
      %sub3A_237 = arith.subi %add3A_28, %sub3A_236 : i32
      %lt3A_238 = arith.cmpi slt, %while3A_171, %sub3A_237 : i32
      %convert_element_type3A_239 = arith.extui %lt3A_238 : i1 to i32
      %cond3A_240 = arith.constant 0 : i32
      %cond3A_241 = arith.cmpi ne, %convert_element_type3A_239, %cond3A_240 : i32
      scf.if %cond3A_241 {
        %add3A_243 = arith.constant 2 : i32
        %add3A_244 = arith.addi %while3A_171, %add3A_243 : i32
        %mul3A_245 = arith.constant 32 : i32
        %mul3A_246 = arith.muli %add3A_244, %mul3A_245 : i32
        %add3A_247 = arith.addi %add3A, %mul3A_246 : i32
        %mul3A_248 = arith.constant 10 : i32
        %mul3A_249 = arith.muli %add3A_247, %mul3A_248 : i32
        %mul3A_250 = arith.constant 128 : i32
        %mul3A_251 = arith.muli %mul3A_249, %mul3A_250 : i32
        %dma_start3A_252 = arith.constant 0 : i32
        %dma_start3A_253 = arith.constant 0 : i32
        %dma_start3A_254 = tpu.memref_slice %arg8[%rem3A_178, %dma_start3A_253] : memref<4x1280xi32, #tpu.memory_space<vmem>> -> memref<1x1280xi32, #tpu.memory_space<vmem>>
        %dma_start3A_255 = tpu.memref_squeeze %dma_start3A_254 : memref<1x1280xi32, #tpu.memory_space<vmem>> -> memref<1280xi32, #tpu.memory_space<vmem>>
        %dma_start3A_256 = tpu.memref_slice %arg2[%mul3A_251] : memref<6400000xi32, #tpu.memory_space<hbm>> -> memref<1280xi32, #tpu.memory_space<hbm>>
        %dma_start3A_257 = tpu.memref_slice %arg14[%rem3A_178, %dma_start3A_252] : memref<4x3x!tpu.dma_semaphore, #tpu.memory_space<semaphore_mem>> -> memref<1x1x!tpu.dma_semaphore, #tpu.memory_space<semaphore_mem>>
        %dma_start3A_258 = tpu.memref_squeeze %dma_start3A_257 : memref<1x1x!tpu.dma_semaphore, #tpu.memory_space<semaphore_mem>> -> memref<!tpu.dma_semaphore, #tpu.memory_space<semaphore_mem>>
        %dma_start3A_259 = arith.constant 0 : i32
        %dma_start3A_260 = tpu.memref_slice %arg8[%rem3A_178, %dma_start3A_259] : memref<4x1280xi32, #tpu.memory_space<vmem>> -> memref<1x1280xi32, #tpu.memory_space<vmem>>
        %dma_start3A_261 = tpu.memref_squeeze %dma_start3A_260 : memref<1x1280xi32, #tpu.memory_space<vmem>> -> memref<1280xi32, #tpu.memory_space<vmem>>
        %dma_start3A_262 = tpu.memref_slice %arg2[%mul3A_251] : memref<6400000xi32, #tpu.memory_space<hbm>> -> memref<1280xi32, #tpu.memory_space<hbm>>
        tpu.enqueue_dma source(%dma_start3A_262 : memref<1280xi32, #tpu.memory_space<hbm>>) target(%dma_start3A_261 : memref<1280xi32, #tpu.memory_space<vmem>>) target_semaphore(%dma_start3A_258 : memref<!tpu.dma_semaphore, #tpu.memory_space<semaphore_mem>>)
        %dma_start3A_263 = arith.constant 1 : i32
        %dma_start3A_264 = arith.constant 0 : i32
        %dma_start3A_265 = arith.constant 0 : i32
        %dma_start3A_266 = tpu.memref_slice %arg9[%rem3A_178, %dma_start3A_264, %dma_start3A_265] : memref<4x10x128xi32, #tpu.memory_space<vmem>> -> memref<1x10x128xi32, #tpu.memory_space<vmem>>
        %dma_start3A_267 = tpu.memref_squeeze %dma_start3A_266 : memref<1x10x128xi32, #tpu.memory_space<vmem>> -> memref<10x128xi32, #tpu.memory_space<vmem>>
        %dma_start3A_268 = arith.constant 0 : i32
        %dma_start3A_269 = tpu.memref_slice %arg3[%mul3A_249, %dma_start3A_268] : memref<50000x128xi32, #tpu.memory_space<hbm>> -> memref<10x128xi32, #tpu.memory_space<hbm>>
        %dma_start3A_270 = tpu.memref_slice %arg14[%rem3A_178, %dma_start3A_263] : memref<4x3x!tpu.dma_semaphore, #tpu.memory_space<semaphore_mem>> -> memref<1x1x!tpu.dma_semaphore, #tpu.memory_space<semaphore_mem>>
        %dma_start3A_271 = tpu.memref_squeeze %dma_start3A_270 : memref<1x1x!tpu.dma_semaphore, #tpu.memory_space<semaphore_mem>> -> memref<!tpu.dma_semaphore, #tpu.memory_space<semaphore_mem>>
        %dma_start3A_272 = arith.constant 0 : i32
        %dma_start3A_273 = arith.constant 0 : i32
        %dma_start3A_274 = tpu.memref_slice %arg9[%rem3A_178, %dma_start3A_272, %dma_start3A_273] : memref<4x10x128xi32, #tpu.memory_space<vmem>> -> memref<1x10x128xi32, #tpu.memory_space<vmem>>
        %dma_start3A_275 = tpu.memref_squeeze %dma_start3A_274 : memref<1x10x128xi32, #tpu.memory_space<vmem>> -> memref<10x128xi32, #tpu.memory_space<vmem>>
        %dma_start3A_276 = arith.constant 0 : i32
        %dma_start3A_277 = tpu.memref_slice %arg3[%mul3A_249, %dma_start3A_276] : memref<50000x128xi32, #tpu.memory_space<hbm>> -> memref<10x128xi32, #tpu.memory_space<hbm>>
        tpu.enqueue_dma source(%dma_start3A_277 : memref<10x128xi32, #tpu.memory_space<hbm>>) target(%dma_start3A_275 : memref<10x128xi32, #tpu.memory_space<vmem>>) target_semaphore(%dma_start3A_271 : memref<!tpu.dma_semaphore, #tpu.memory_space<semaphore_mem>>)
        %dma_start3A_278 = arith.constant 2 : i32
        %dma_start3A_279 = arith.constant 0 : i32
        %dma_start3A_280 = tpu.memref_slice %arg10[%rem3A_178, %dma_start3A_279] : memref<4x1280xf32, #tpu.memory_space<vmem>> -> memref<1x1280xf32, #tpu.memory_space<vmem>>
        %dma_start3A_281 = tpu.memref_squeeze %dma_start3A_280 : memref<1x1280xf32, #tpu.memory_space<vmem>> -> memref<1280xf32, #tpu.memory_space<vmem>>
        %dma_start3A_282 = tpu.memref_slice %arg4[%mul3A_251] : memref<6400000xf32, #tpu.memory_space<hbm>> -> memref<1280xf32, #tpu.memory_space<hbm>>
        %dma_start3A_283 = tpu.memref_slice %arg14[%rem3A_178, %dma_start3A_278] : memref<4x3x!tpu.dma_semaphore, #tpu.memory_space<semaphore_mem>> -> memref<1x1x!tpu.dma_semaphore, #tpu.memory_space<semaphore_mem>>
        %dma_start3A_284 = tpu.memref_squeeze %dma_start3A_283 : memref<1x1x!tpu.dma_semaphore, #tpu.memory_space<semaphore_mem>> -> memref<!tpu.dma_semaphore, #tpu.memory_space<semaphore_mem>>
        %dma_start3A_285 = arith.constant 0 : i32
        %dma_start3A_286 = tpu.memref_slice %arg10[%rem3A_178, %dma_start3A_285] : memref<4x1280xf32, #tpu.memory_space<vmem>> -> memref<1x1280xf32, #tpu.memory_space<vmem>>
        %dma_start3A_287 = tpu.memref_squeeze %dma_start3A_286 : memref<1x1280xf32, #tpu.memory_space<vmem>> -> memref<1280xf32, #tpu.memory_space<vmem>>
        %dma_start3A_288 = tpu.memref_slice %arg4[%mul3A_251] : memref<6400000xf32, #tpu.memory_space<hbm>> -> memref<1280xf32, #tpu.memory_space<hbm>>
        tpu.enqueue_dma source(%dma_start3A_288 : memref<1280xf32, #tpu.memory_space<hbm>>) target(%dma_start3A_287 : memref<1280xf32, #tpu.memory_space<vmem>>) target_semaphore(%dma_start3A_284 : memref<!tpu.dma_semaphore, #tpu.memory_space<semaphore_mem>>)
      } else {
      }
      %while3A_242 = arith.constant 0 : i32
      scf.yield %while3A_242 : i32
    }
    %while3A_135 = arith.constant 1 : i32
    %while3A_136 = scf.for %while3A_171 = %while3A_132 to %while3A_128 step %while3A_135 iter_args(%while3A_172 = %while3A_134) -> (i32)  : i32 {
      %rem3A_173 = arith.constant 4 : i32
      %rem3A_174 = arith.remsi %while3A_171, %rem3A_173 : i32
      %add3A_175 = arith.constant 2 : i32
      %add3A_176 = arith.addi %while3A_171, %add3A_175 : i32
      %rem3A_177 = arith.constant 4 : i32
      %rem3A_178 = arith.remsi %add3A_176, %rem3A_177 : i32
      %mul3A_179 = arith.constant 32 : i32
      %mul3A_180 = arith.muli %while3A_171, %mul3A_179 : i32
      %add3A_181 = arith.addi %add3A, %mul3A_180 : i32
      %mul3A_182 = arith.constant 10 : i32
      %mul3A_183 = arith.muli %add3A_181, %mul3A_182 : i32
      %mul3A_184 = arith.constant 128 : i32
      %mul3A_185 = arith.muli %mul3A_183, %mul3A_184 : i32
      %dma_wait3A_186 = arith.constant 0 : i32
      %dma_wait3A_187 = arith.constant 0 : i32
      %dma_wait3A_188 = tpu.memref_slice %arg8[%rem3A_174, %dma_wait3A_187] : memref<4x1280xi32, #tpu.memory_space<vmem>> -> memref<1x1280xi32, #tpu.memory_space<vmem>>
      %dma_wait3A_189 = tpu.memref_squeeze %dma_wait3A_188 : memref<1x1280xi32, #tpu.memory_space<vmem>> -> memref<1280xi32, #tpu.memory_space<vmem>>
      %dma_wait3A_190 = tpu.memref_slice %arg2[%mul3A_185] : memref<6400000xi32, #tpu.memory_space<hbm>> -> memref<1280xi32, #tpu.memory_space<hbm>>
      %dma_wait3A_191 = tpu.memref_slice %arg14[%rem3A_174, %dma_wait3A_186] : memref<4x3x!tpu.dma_semaphore, #tpu.memory_space<semaphore_mem>> -> memref<1x1x!tpu.dma_semaphore, #tpu.memory_space<semaphore_mem>>
      %dma_wait3A_192 = tpu.memref_squeeze %dma_wait3A_191 : memref<1x1x!tpu.dma_semaphore, #tpu.memory_space<semaphore_mem>> -> memref<!tpu.dma_semaphore, #tpu.memory_space<semaphore_mem>>
      %dma_wait3A_193 = arith.constant 0 : i32
      %dma_wait3A_194 = tpu.memref_slice %arg8[%rem3A_174, %dma_wait3A_193] : memref<4x1280xi32, #tpu.memory_space<vmem>> -> memref<1x1280xi32, #tpu.memory_space<vmem>>
      %dma_wait3A_195 = tpu.memref_squeeze %dma_wait3A_194 : memref<1x1280xi32, #tpu.memory_space<vmem>> -> memref<1280xi32, #tpu.memory_space<vmem>>
      %dma_wait3A_196 = tpu.memref_slice %arg2[%mul3A_185] : memref<6400000xi32, #tpu.memory_space<hbm>> -> memref<1280xi32, #tpu.memory_space<hbm>>
      tpu.wait_dma2 semaphore(%dma_wait3A_192 : memref<!tpu.dma_semaphore, #tpu.memory_space<semaphore_mem>>) src(%dma_wait3A_196 : memref<1280xi32, #tpu.memory_space<hbm>>) dst(%dma_wait3A_195 : memref<1280xi32, #tpu.memory_space<vmem>>)
      %dma_wait3A_197 = arith.constant 1 : i32
      %dma_wait3A_198 = arith.constant 0 : i32
      %dma_wait3A_199 = arith.constant 0 : i32
      %dma_wait3A_200 = tpu.memref_slice %arg9[%rem3A_174, %dma_wait3A_198, %dma_wait3A_199] : memref<4x10x128xi32, #tpu.memory_space<vmem>> -> memref<1x10x128xi32, #tpu.memory_space<vmem>>
      %dma_wait3A_201 = tpu.memref_squeeze %dma_wait3A_200 : memref<1x10x128xi32, #tpu.memory_space<vmem>> -> memref<10x128xi32, #tpu.memory_space<vmem>>
      %dma_wait3A_202 = arith.constant 0 : i32
      %dma_wait3A_203 = tpu.memref_slice %arg3[%mul3A_183, %dma_wait3A_202] : memref<50000x128xi32, #tpu.memory_space<hbm>> -> memref<10x128xi32, #tpu.memory_space<hbm>>
      %dma_wait3A_204 = tpu.memref_slice %arg14[%rem3A_174, %dma_wait3A_197] : memref<4x3x!tpu.dma_semaphore, #tpu.memory_space<semaphore_mem>> -> memref<1x1x!tpu.dma_semaphore, #tpu.memory_space<semaphore_mem>>
      %dma_wait3A_205 = tpu.memref_squeeze %dma_wait3A_204 : memref<1x1x!tpu.dma_semaphore, #tpu.memory_space<semaphore_mem>> -> memref<!tpu.dma_semaphore, #tpu.memory_space<semaphore_mem>>
      %dma_wait3A_206 = arith.constant 0 : i32
      %dma_wait3A_207 = arith.constant 0 : i32
      %dma_wait3A_208 = tpu.memref_slice %arg9[%rem3A_174, %dma_wait3A_206, %dma_wait3A_207] : memref<4x10x128xi32, #tpu.memory_space<vmem>> -> memref<1x10x128xi32, #tpu.memory_space<vmem>>
      %dma_wait3A_209 = tpu.memref_squeeze %dma_wait3A_208 : memref<1x10x128xi32, #tpu.memory_space<vmem>> -> memref<10x128xi32, #tpu.memory_space<vmem>>
      %dma_wait3A_210 = arith.constant 0 : i32
      %dma_wait3A_211 = tpu.memref_slice %arg3[%mul3A_183, %dma_wait3A_210] : memref<50000x128xi32, #tpu.memory_space<hbm>> -> memref<10x128xi32, #tpu.memory_space<hbm>>
      tpu.wait_dma2 semaphore(%dma_wait3A_205 : memref<!tpu.dma_semaphore, #tpu.memory_space<semaphore_mem>>) src(%dma_wait3A_211 : memref<10x128xi32, #tpu.memory_space<hbm>>) dst(%dma_wait3A_209 : memref<10x128xi32, #tpu.memory_space<vmem>>)
      %dma_wait3A_212 = arith.constant 2 : i32
      %dma_wait3A_213 = arith.constant 0 : i32
      %dma_wait3A_214 = tpu.memref_slice %arg10[%rem3A_174, %dma_wait3A_213] : memref<4x1280xf32, #tpu.memory_space<vmem>> -> memref<1x1280xf32, #tpu.memory_space<vmem>>
      %dma_wait3A_215 = tpu.memref_squeeze %dma_wait3A_214 : memref<1x1280xf32, #tpu.memory_space<vmem>> -> memref<1280xf32, #tpu.memory_space<vmem>>
      %dma_wait3A_216 = tpu.memref_slice %arg4[%mul3A_185] : memref<6400000xf32, #tpu.memory_space<hbm>> -> memref<1280xf32, #tpu.memory_space<hbm>>
      %dma_wait3A_217 = tpu.memref_slice %arg14[%rem3A_174, %dma_wait3A_212] : memref<4x3x!tpu.dma_semaphore, #tpu.memory_space<semaphore_mem>> -> memref<1x1x!tpu.dma_semaphore, #tpu.memory_space<semaphore_mem>>
      %dma_wait3A_218 = tpu.memref_squeeze %dma_wait3A_217 : memref<1x1x!tpu.dma_semaphore, #tpu.memory_space<semaphore_mem>> -> memref<!tpu.dma_semaphore, #tpu.memory_space<semaphore_mem>>
      %dma_wait3A_219 = arith.constant 0 : i32
      %dma_wait3A_220 = tpu.memref_slice %arg10[%rem3A_174, %dma_wait3A_219] : memref<4x1280xf32, #tpu.memory_space<vmem>> -> memref<1x1280xf32, #tpu.memory_space<vmem>>
      %dma_wait3A_221 = tpu.memref_squeeze %dma_wait3A_220 : memref<1x1280xf32, #tpu.memory_space<vmem>> -> memref<1280xf32, #tpu.memory_space<vmem>>
      %dma_wait3A_222 = tpu.memref_slice %arg4[%mul3A_185] : memref<6400000xf32, #tpu.memory_space<hbm>> -> memref<1280xf32, #tpu.memory_space<hbm>>
      tpu.wait_dma2 semaphore(%dma_wait3A_218 : memref<!tpu.dma_semaphore, #tpu.memory_space<semaphore_mem>>) src(%dma_wait3A_222 : memref<1280xf32, #tpu.memory_space<hbm>>) dst(%dma_wait3A_221 : memref<1280xf32, #tpu.memory_space<vmem>>)
      %parallel_loop3A = arith.constant 0 : i32
      %parallel_loop3A_223 = arith.constant 1280 : i32
      %parallel_loop3A_224 = arith.constant 16 : i32
      scf.for %parallel_loop3A_243 = %parallel_loop3A to %parallel_loop3A_223 step %parallel_loop3A_224  : i32 {
        %parallel_loop3A_244 = arith.index_cast %rem3A_174 : i32 to index
        %parallel_loop3A_245 = arith.index_cast %parallel_loop3A_243 : i32 to index
        %parallel_loop3A_246 = tpu.vector_load %arg8[%parallel_loop3A_244, %parallel_loop3A_245] {strides = array<i32>} : memref<4x1280xi32, #tpu.memory_space<vmem>>, vector<16xi32>,
        %parallel_loop3A_247 = tpu.vector_load_idx %arg7[%parallel_loop3A_246] : memref<100000xf32, #tpu.memory_space<vmem>>[vector<16xi32>], vector<16xf32>,
        %parallel_loop3A_248 = arith.index_cast %rem3A_174 : i32 to index
        %parallel_loop3A_249 = arith.index_cast %parallel_loop3A_243 : i32 to index
        %parallel_loop3A_250 = tpu.vector_load %arg10[%parallel_loop3A_248, %parallel_loop3A_249] {strides = array<i32>} : memref<4x1280xf32, #tpu.memory_space<vmem>>, vector<16xf32>,
        %parallel_loop3A_251 = arith.mulf %parallel_loop3A_247, %parallel_loop3A_250 : vector<16xf32>
        %parallel_loop3A_252 = arith.index_cast %rem3A_174 : i32 to index
        %parallel_loop3A_253 = arith.index_cast %parallel_loop3A_243 : i32 to index
        %parallel_loop3A_254 = tpu.vector_load %arg10[%parallel_loop3A_252, %parallel_loop3A_253] {strides = array<i32>} : memref<4x1280xf32, #tpu.memory_space<vmem>>, vector<16xf32>,
        tpu.vector_store %arg10[%parallel_loop3A_252, %parallel_loop3A_253], %parallel_loop3A_251 {strides = array<i32>} : memref<4x1280xf32, #tpu.memory_space<vmem>>, vector<16xf32>,
      } {sc.loop_unroll_factor = 8 : i64, sc.parallel_access}
      %scan3A_225 = arith.constant 0 : i32
      %scan3A_226 = arith.constant 0 : i32
      %scan3A_227 = arith.constant 10 : i32
      %scan3A_228 = arith.addi %scan3A_226, %scan3A_227 : i32
      %scan3A_229 = arith.constant 1 : i32
      %scan3A_230 = scf.for %scan3A_243 = %scan3A_226 to %scan3A_228 step %scan3A_229 iter_args(%scan3A_244 = %scan3A_225) -> (i32)  : i32 {
        %mul3A_245 = arith.constant 128 : i32
        %mul3A_246 = arith.muli %scan3A_243, %mul3A_245 : i32
        %dma_start3A_247 = tpu.memref_slice %arg10[%rem3A_174, %mul3A_246] : memref<4x1280xf32, #tpu.memory_space<vmem>> -> memref<1x128xf32, #tpu.memory_space<vmem>>
        %dma_start3A_248 = tpu.memref_squeeze %dma_start3A_247 : memref<1x128xf32, #tpu.memory_space<vmem>> -> memref<128xf32, #tpu.memory_space<vmem>>
        %dma_start3A_249 = arith.constant 0 : i32
        %dma_start3A_250 = tpu.memref_slice %arg9[%rem3A_174, %scan3A_243, %dma_start3A_249] : memref<4x10x128xi32, #tpu.memory_space<vmem>> -> memref<1x1x128xi32, #tpu.memory_space<vmem>>
        %dma_start3A_251 = tpu.memref_squeeze %dma_start3A_250 : memref<1x1x128xi32, #tpu.memory_space<vmem>> -> memref<128xi32, #tpu.memory_space<vmem>>
        %dma_start3A_252 = arith.constant 0 : i32
        %dma_start3A_253 = tpu.memref_slice %arg12[%dma_start3A_252] : memref<100352xf32, #tpu.memory_space<vmem_shared>> -> memref<100352xf32, #tpu.memory_space<vmem_shared>>
        %dma_start3A_254 = tpu.memref_slice %arg15[%rem3A_174] : memref<4x!tpu.dma_semaphore, #tpu.memory_space<semaphore_mem>> -> memref<1x!tpu.dma_semaphore, #tpu.memory_space<semaphore_mem>>
        %dma_start3A_255 = tpu.memref_squeeze %dma_start3A_254 : memref<1x!tpu.dma_semaphore, #tpu.memory_space<semaphore_mem>> -> memref<!tpu.dma_semaphore, #tpu.memory_space<semaphore_mem>>
        tpu.enqueue_indirect_dma source(%dma_start3A_248 : memref<128xf32, #tpu.memory_space<vmem>>) target(%dma_start3A_253 : memref<100352xf32, #tpu.memory_space<vmem_shared>>) offsets(%dma_start3A_251 : memref<128xi32, #tpu.memory_space<vmem>>) semaphore(%dma_start3A_255 : memref<!tpu.dma_semaphore, #tpu.memory_space<semaphore_mem>>) {add = true}
        %scan3A_256 = arith.constant 0 : i32
        scf.yield %scan3A_256 : i32
      }
      %scan3A_231 = arith.constant 10 : i32
      %ge3A = arith.constant 2 : i32
      %ge3A_232 = arith.cmpi sge, %while3A_171, %ge3A : i32
      %convert_element_type3A_233 = arith.extui %ge3A_232 : i1 to i32
      %cond3A_234 = arith.constant 0 : i32
      %cond3A_235 = arith.cmpi ne, %convert_element_type3A_233, %cond3A_234 : i32
      scf.if %cond3A_235 {
        %dma_wait3A_243 = arith.constant 0 : i32
        %dma_wait3A_244 = tpu.memref_slice %arg8[%rem3A_178, %dma_wait3A_243] : memref<4x1280xi32, #tpu.memory_space<vmem>> -> memref<1x1280xi32, #tpu.memory_space<vmem>>
        %dma_wait3A_245 = tpu.memref_squeeze %dma_wait3A_244 : memref<1x1280xi32, #tpu.memory_space<vmem>> -> memref<1280xi32, #tpu.memory_space<vmem>>
        %dma_wait3A_246 = arith.constant 0 : i32
        %dma_wait3A_247 = tpu.memref_slice %arg2[%dma_wait3A_246] : memref<6400000xi32, #tpu.memory_space<hbm>> -> memref<1280xi32, #tpu.memory_space<hbm>>
        %dma_wait3A_248 = tpu.memref_slice %arg15[%rem3A_178] : memref<4x!tpu.dma_semaphore, #tpu.memory_space<semaphore_mem>> -> memref<1x!tpu.dma_semaphore, #tpu.memory_space<semaphore_mem>>
        %dma_wait3A_249 = tpu.memref_squeeze %dma_wait3A_248 : memref<1x!tpu.dma_semaphore, #tpu.memory_space<semaphore_mem>> -> memref<!tpu.dma_semaphore, #tpu.memory_space<semaphore_mem>>
        %dma_wait3A_250 = arith.constant 0 : i32
        %dma_wait3A_251 = tpu.memref_slice %arg8[%rem3A_178, %dma_wait3A_250] : memref<4x1280xi32, #tpu.memory_space<vmem>> -> memref<1x1280xi32, #tpu.memory_space<vmem>>
        %dma_wait3A_252 = tpu.memref_squeeze %dma_wait3A_251 : memref<1x1280xi32, #tpu.memory_space<vmem>> -> memref<1280xi32, #tpu.memory_space<vmem>>
        %dma_wait3A_253 = arith.constant 0 : i32
        %dma_wait3A_254 = tpu.memref_slice %arg2[%dma_wait3A_253] : memref<6400000xi32, #tpu.memory_space<hbm>> -> memref<1280xi32, #tpu.memory_space<hbm>>
        tpu.wait_dma2 semaphore(%dma_wait3A_249 : memref<!tpu.dma_semaphore, #tpu.memory_space<semaphore_mem>>) src(%dma_wait3A_254 : memref<1280xi32, #tpu.memory_space<hbm>>) dst(%dma_wait3A_252 : memref<1280xi32, #tpu.memory_space<vmem>>)
      } else {
      }
      %sub3A_236 = arith.constant 2 : i32
      %sub3A_237 = arith.subi %add3A_28, %sub3A_236 : i32
      %lt3A_238 = arith.cmpi slt, %while3A_171, %sub3A_237 : i32
      %convert_element_type3A_239 = arith.extui %lt3A_238 : i1 to i32
      %cond3A_240 = arith.constant 0 : i32
      %cond3A_241 = arith.cmpi ne, %convert_element_type3A_239, %cond3A_240 : i32
      scf.if %cond3A_241 {
        %add3A_243 = arith.constant 2 : i32
        %add3A_244 = arith.addi %while3A_171, %add3A_243 : i32
        %mul3A_245 = arith.constant 32 : i32
        %mul3A_246 = arith.muli %add3A_244, %mul3A_245 : i32
        %add3A_247 = arith.addi %add3A, %mul3A_246 : i32
        %mul3A_248 = arith.constant 10 : i32
        %mul3A_249 = arith.muli %add3A_247, %mul3A_248 : i32
        %mul3A_250 = arith.constant 128 : i32
        %mul3A_251 = arith.muli %mul3A_249, %mul3A_250 : i32
        %dma_start3A_252 = arith.constant 0 : i32
        %dma_start3A_253 = arith.constant 0 : i32
        %dma_start3A_254 = tpu.memref_slice %arg8[%rem3A_178, %dma_start3A_253] : memref<4x1280xi32, #tpu.memory_space<vmem>> -> memref<1x1280xi32, #tpu.memory_space<vmem>>
        %dma_start3A_255 = tpu.memref_squeeze %dma_start3A_254 : memref<1x1280xi32, #tpu.memory_space<vmem>> -> memref<1280xi32, #tpu.memory_space<vmem>>
        %dma_start3A_256 = tpu.memref_slice %arg2[%mul3A_251] : memref<6400000xi32, #tpu.memory_space<hbm>> -> memref<1280xi32, #tpu.memory_space<hbm>>
        %dma_start3A_257 = tpu.memref_slice %arg14[%rem3A_178, %dma_start3A_252] : memref<4x3x!tpu.dma_semaphore, #tpu.memory_space<semaphore_mem>> -> memref<1x1x!tpu.dma_semaphore, #tpu.memory_space<semaphore_mem>>
        %dma_start3A_258 = tpu.memref_squeeze %dma_start3A_257 : memref<1x1x!tpu.dma_semaphore, #tpu.memory_space<semaphore_mem>> -> memref<!tpu.dma_semaphore, #tpu.memory_space<semaphore_mem>>
        %dma_start3A_259 = arith.constant 0 : i32
        %dma_start3A_260 = tpu.memref_slice %arg8[%rem3A_178, %dma_start3A_259] : memref<4x1280xi32, #tpu.memory_space<vmem>> -> memref<1x1280xi32, #tpu.memory_space<vmem>>
        %dma_start3A_261 = tpu.memref_squeeze %dma_start3A_260 : memref<1x1280xi32, #tpu.memory_space<vmem>> -> memref<1280xi32, #tpu.memory_space<vmem>>
        %dma_start3A_262 = tpu.memref_slice %arg2[%mul3A_251] : memref<6400000xi32, #tpu.memory_space<hbm>> -> memref<1280xi32, #tpu.memory_space<hbm>>
        tpu.enqueue_dma source(%dma_start3A_262 : memref<1280xi32, #tpu.memory_space<hbm>>) target(%dma_start3A_261 : memref<1280xi32, #tpu.memory_space<vmem>>) target_semaphore(%dma_start3A_258 : memref<!tpu.dma_semaphore, #tpu.memory_space<semaphore_mem>>)
        %dma_start3A_263 = arith.constant 1 : i32
        %dma_start3A_264 = arith.constant 0 : i32
        %dma_start3A_265 = arith.constant 0 : i32
        %dma_start3A_266 = tpu.memref_slice %arg9[%rem3A_178, %dma_start3A_264, %dma_start3A_265] : memref<4x10x128xi32, #tpu.memory_space<vmem>> -> memref<1x10x128xi32, #tpu.memory_space<vmem>>
        %dma_start3A_267 = tpu.memref_squeeze %dma_start3A_266 : memref<1x10x128xi32, #tpu.memory_space<vmem>> -> memref<10x128xi32, #tpu.memory_space<vmem>>
        %dma_start3A_268 = arith.constant 0 : i32
        %dma_start3A_269 = tpu.memref_slice %arg3[%mul3A_249, %dma_start3A_268] : memref<50000x128xi32, #tpu.memory_space<hbm>> -> memref<10x128xi32, #tpu.memory_space<hbm>>
        %dma_start3A_270 = tpu.memref_slice %arg14[%rem3A_178, %dma_start3A_263] : memref<4x3x!tpu.dma_semaphore, #tpu.memory_space<semaphore_mem>> -> memref<1x1x!tpu.dma_semaphore, #tpu.memory_space<semaphore_mem>>
        %dma_start3A_271 = tpu.memref_squeeze %dma_start3A_270 : memref<1x1x!tpu.dma_semaphore, #tpu.memory_space<semaphore_mem>> -> memref<!tpu.dma_semaphore, #tpu.memory_space<semaphore_mem>>
        %dma_start3A_272 = arith.constant 0 : i32
        %dma_start3A_273 = arith.constant 0 : i32
        %dma_start3A_274 = tpu.memref_slice %arg9[%rem3A_178, %dma_start3A_272, %dma_start3A_273] : memref<4x10x128xi32, #tpu.memory_space<vmem>> -> memref<1x10x128xi32, #tpu.memory_space<vmem>>
        %dma_start3A_275 = tpu.memref_squeeze %dma_start3A_274 : memref<1x10x128xi32, #tpu.memory_space<vmem>> -> memref<10x128xi32, #tpu.memory_space<vmem>>
        %dma_start3A_276 = arith.constant 0 : i32
        %dma_start3A_277 = tpu.memref_slice %arg3[%mul3A_249, %dma_start3A_276] : memref<50000x128xi32, #tpu.memory_space<hbm>> -> memref<10x128xi32, #tpu.memory_space<hbm>>
        tpu.enqueue_dma source(%dma_start3A_277 : memref<10x128xi32, #tpu.memory_space<hbm>>) target(%dma_start3A_275 : memref<10x128xi32, #tpu.memory_space<vmem>>) target_semaphore(%dma_start3A_271 : memref<!tpu.dma_semaphore, #tpu.memory_space<semaphore_mem>>)
        %dma_start3A_278 = arith.constant 2 : i32
        %dma_start3A_279 = arith.constant 0 : i32
        %dma_start3A_280 = tpu.memref_slice %arg10[%rem3A_178, %dma_start3A_279] : memref<4x1280xf32, #tpu.memory_space<vmem>> -> memref<1x1280xf32, #tpu.memory_space<vmem>>
        %dma_start3A_281 = tpu.memref_squeeze %dma_start3A_280 : memref<1x1280xf32, #tpu.memory_space<vmem>> -> memref<1280xf32, #tpu.memory_space<vmem>>
        %dma_start3A_282 = tpu.memref_slice %arg4[%mul3A_251] : memref<6400000xf32, #tpu.memory_space<hbm>> -> memref<1280xf32, #tpu.memory_space<hbm>>
        %dma_start3A_283 = tpu.memref_slice %arg14[%rem3A_178, %dma_start3A_278] : memref<4x3x!tpu.dma_semaphore, #tpu.memory_space<semaphore_mem>> -> memref<1x1x!tpu.dma_semaphore, #tpu.memory_space<semaphore_mem>>
        %dma_start3A_284 = tpu.memref_squeeze %dma_start3A_283 : memref<1x1x!tpu.dma_semaphore, #tpu.memory_space<semaphore_mem>> -> memref<!tpu.dma_semaphore, #tpu.memory_space<semaphore_mem>>
        %dma_start3A_285 = arith.constant 0 : i32
        %dma_start3A_286 = tpu.memref_slice %arg10[%rem3A_178, %dma_start3A_285] : memref<4x1280xf32, #tpu.memory_space<vmem>> -> memref<1x1280xf32, #tpu.memory_space<vmem>>
        %dma_start3A_287 = tpu.memref_squeeze %dma_start3A_286 : memref<1x1280xf32, #tpu.memory_space<vmem>> -> memref<1280xf32, #tpu.memory_space<vmem>>
        %dma_start3A_288 = tpu.memref_slice %arg4[%mul3A_251] : memref<6400000xf32, #tpu.memory_space<hbm>> -> memref<1280xf32, #tpu.memory_space<hbm>>
        tpu.enqueue_dma source(%dma_start3A_288 : memref<1280xf32, #tpu.memory_space<hbm>>) target(%dma_start3A_287 : memref<1280xf32, #tpu.memory_space<vmem>>) target_semaphore(%dma_start3A_284 : memref<!tpu.dma_semaphore, #tpu.memory_space<semaphore_mem>>)
      } else {
      }
      %while3A_242 = arith.constant 0 : i32
      scf.yield %while3A_242 : i32
    }
    %sub3A = arith.constant 2 : i32
    %sub3A_137 = arith.subi %add3A_28, %sub3A : i32
    %rem3A = arith.constant 4 : i32
    %rem3A_138 = arith.remsi %sub3A_137, %rem3A : i32
    %dma_wait3A = arith.constant 0 : i32
    %dma_wait3A_139 = tpu.memref_slice %arg8[%rem3A_138, %dma_wait3A] : memref<4x1280xi32, #tpu.memory_space<vmem>> -> memref<1x1280xi32, #tpu.memory_space<vmem>>
    %dma_wait3A_140 = tpu.memref_squeeze %dma_wait3A_139 : memref<1x1280xi32, #tpu.memory_space<vmem>> -> memref<1280xi32, #tpu.memory_space<vmem>>
    %dma_wait3A_141 = arith.constant 0 : i32
    %dma_wait3A_142 = tpu.memref_slice %arg2[%dma_wait3A_141] : memref<6400000xi32, #tpu.memory_space<hbm>> -> memref<1280xi32, #tpu.memory_space<hbm>>
    %dma_wait3A_143 = tpu.memref_slice %arg15[%rem3A_138] : memref<4x!tpu.dma_semaphore, #tpu.memory_space<semaphore_mem>> -> memref<1x!tpu.dma_semaphore, #tpu.memory_space<semaphore_mem>>
    %dma_wait3A_144 = tpu.memref_squeeze %dma_wait3A_143 : memref<1x!tpu.dma_semaphore, #tpu.memory_space<semaphore_mem>> -> memref<!tpu.dma_semaphore, #tpu.memory_space<semaphore_mem>>
    %dma_wait3A_145 = arith.constant 0 : i32
    %dma_wait3A_146 = tpu.memref_slice %arg8[%rem3A_138, %dma_wait3A_145] : memref<4x1280xi32, #tpu.memory_space<vmem>> -> memref<1x1280xi32, #tpu.memory_space<vmem>>
    %dma_wait3A_147 = tpu.memref_squeeze %dma_wait3A_146 : memref<1x1280xi32, #tpu.memory_space<vmem>> -> memref<1280xi32, #tpu.memory_space<vmem>>
    %dma_wait3A_148 = arith.constant 0 : i32
    %dma_wait3A_149 = tpu.memref_slice %arg2[%dma_wait3A_148] : memref<6400000xi32, #tpu.memory_space<hbm>> -> memref<1280xi32, #tpu.memory_space<hbm>>
    tpu.wait_dma2 semaphore(%dma_wait3A_144 : memref<!tpu.dma_semaphore, #tpu.memory_space<semaphore_mem>>) src(%dma_wait3A_149 : memref<1280xi32, #tpu.memory_space<hbm>>) dst(%dma_wait3A_147 : memref<1280xi32, #tpu.memory_space<vmem>>)
    %sub3A_150 = arith.constant 1 : i32
    %sub3A_151 = arith.subi %add3A_28, %sub3A_150 : i32
    %rem3A_152 = arith.constant 4 : i32
    %rem3A_153 = arith.remsi %sub3A_151, %rem3A_152 : i32
    %dma_wait3A_154 = arith.constant 0 : i32
    %dma_wait3A_155 = tpu.memref_slice %arg8[%rem3A_153, %dma_wait3A_154] : memref<4x1280xi32, #tpu.memory_space<vmem>> -> memref<1x1280xi32, #tpu.memory_space<vmem>>
    %dma_wait3A_156 = tpu.memref_squeeze %dma_wait3A_155 : memref<1x1280xi32, #tpu.memory_space<vmem>> -> memref<1280xi32, #tpu.memory_space<vmem>>
    %dma_wait3A_157 = arith.constant 0 : i32
    %dma_wait3A_158 = tpu.memref_slice %arg2[%dma_wait3A_157] : memref<6400000xi32, #tpu.memory_space<hbm>> -> memref<1280xi32, #tpu.memory_space<hbm>>
    %dma_wait3A_159 = tpu.memref_slice %arg15[%rem3A_153] : memref<4x!tpu.dma_semaphore, #tpu.memory_space<semaphore_mem>> -> memref<1x!tpu.dma_semaphore, #tpu.memory_space<semaphore_mem>>
    %dma_wait3A_160 = tpu.memref_squeeze %dma_wait3A_159 : memref<1x!tpu.dma_semaphore, #tpu.memory_space<semaphore_mem>> -> memref<!tpu.dma_semaphore, #tpu.memory_space<semaphore_mem>>
    %dma_wait3A_161 = arith.constant 0 : i32
    %dma_wait3A_162 = tpu.memref_slice %arg8[%rem3A_153, %dma_wait3A_161] : memref<4x1280xi32, #tpu.memory_space<vmem>> -> memref<1x1280xi32, #tpu.memory_space<vmem>>
    %dma_wait3A_163 = tpu.memref_squeeze %dma_wait3A_162 : memref<1x1280xi32, #tpu.memory_space<vmem>> -> memref<1280xi32, #tpu.memory_space<vmem>>
    %dma_wait3A_164 = arith.constant 0 : i32
    %dma_wait3A_165 = tpu.memref_slice %arg2[%dma_wait3A_164] : memref<6400000xi32, #tpu.memory_space<hbm>> -> memref<1280xi32, #tpu.memory_space<hbm>>
    tpu.wait_dma2 semaphore(%dma_wait3A_160 : memref<!tpu.dma_semaphore, #tpu.memory_space<semaphore_mem>>) src(%dma_wait3A_165 : memref<1280xi32, #tpu.memory_space<hbm>>) dst(%dma_wait3A_163 : memref<1280xi32, #tpu.memory_space<vmem>>)
    %barrier3A_166 = arith.constant 0 : index
    tpu.barrier barrier_id(%barrier3A_166)
    %mul3A_167 = arith.constant 6272 : i32
    %mul3A_168 = arith.muli %arg1, %mul3A_167 : i32
    %mul3A_169 = arith.constant 6272 : i32
    %mul3A_170 = arith.muli %arg1, %mul3A_169 : i32
    "tpu.region"() ({
      %run_scoped3A = tpu.sem_alloc : memref<!tpu.dma_semaphore, #tpu.memory_space<semaphore_mem>>
      %dma_start3A_171 = tpu.memref_slice %arg6[%arg0, %mul3A_170] : memref<2x100352xf32, #tpu.memory_space<hbm>> -> memref<1x6272xf32, #tpu.memory_space<hbm>>
      %dma_start3A_172 = tpu.memref_squeeze %dma_start3A_171 : memref<1x6272xf32, #tpu.memory_space<hbm>> -> memref<6272xf32, #tpu.memory_space<hbm>>
      %dma_start3A_173 = tpu.memref_slice %arg12[%mul3A_168] : memref<100352xf32, #tpu.memory_space<vmem_shared>> -> memref<6272xf32, #tpu.memory_space<vmem_shared>>
      tpu.enqueue_dma source(%dma_start3A_173 : memref<6272xf32, #tpu.memory_space<vmem_shared>>) target(%dma_start3A_172 : memref<6272xf32, #tpu.memory_space<hbm>>) target_semaphore(%run_scoped3A : memref<!tpu.dma_semaphore, #tpu.memory_space<semaphore_mem>>)
      %dma_wait3A_174 = tpu.memref_slice %arg6[%arg0, %mul3A_170] : memref<2x100352xf32, #tpu.memory_space<hbm>> -> memref<1x6272xf32, #tpu.memory_space<hbm>>
      %dma_wait3A_175 = tpu.memref_squeeze %dma_wait3A_174 : memref<1x6272xf32, #tpu.memory_space<hbm>> -> memref<6272xf32, #tpu.memory_space<hbm>>
      %dma_wait3A_176 = tpu.memref_slice %arg12[%mul3A_168] : memref<100352xf32, #tpu.memory_space<vmem_shared>> -> memref<6272xf32, #tpu.memory_space<vmem_shared>>
      tpu.wait_dma2 semaphore(%run_scoped3A : memref<!tpu.dma_semaphore, #tpu.memory_space<semaphore_mem>>) src(%dma_wait3A_176 : memref<6272xf32, #tpu.memory_space<vmem_shared>>) dst(%dma_wait3A_175 : memref<6272xf32, #tpu.memory_space<hbm>>)
      tpu.yield
    }) : () -> ()
    return
  }
}

module attributes {stable_mosaic.version = 14 : i64} {
  func.func @body(%arg0: memref<2x98x1024xf32, #tpu.memory_space<vmem>>, %arg1: memref<98x1024xf32, #tpu.memory_space<vmem>>, %arg2: memref<98x1024xf32, #tpu.memory_space<vmem>>, %arg3: memref<98x1024xf32, #tpu.memory_space<vmem>>, %arg4: memref<98x1024xf32, #tpu.memory_space<vmem>>, %arg5: memref<98x1024xf32, #tpu.memory_space<vmem>>) attributes {dimension_semantics = [], scalar_prefetch = 0 : i64, scratch_operands = 0 : i64, tpu.core_type = #tpu.core_type<tc>} {
    %get3A = arith.constant 0 : index
    %get3A_0 = arith.constant 0 : index
    %get3A_1 = arith.constant 0 : index
    %get3A_2 = vector.load %arg0[%get3A, %get3A_0, %get3A_1] : memref<2x98x1024xf32, #tpu.memory_space<vmem>>, vector<1x98x1024xf32>
    %get3A_3 = vector.shape_cast %get3A_2 : vector<1x98x1024xf32> to vector<98x1024xf32>
    %get3A_4 = arith.constant 1 : index
    %get3A_5 = arith.constant 0 : index
    %get3A_6 = arith.constant 0 : index
    %get3A_7 = vector.load %arg0[%get3A_4, %get3A_5, %get3A_6] : memref<2x98x1024xf32, #tpu.memory_space<vmem>>, vector<1x98x1024xf32>
    %get3A_8 = vector.shape_cast %get3A_7 : vector<1x98x1024xf32> to vector<98x1024xf32>
    %add3A = arith.addf %get3A_3, %get3A_8 : vector<98x1024xf32>
    %get3A_9 = arith.constant 0 : index
    %get3A_10 = arith.constant 0 : index
    %get3A_11 = vector.load %arg4[%get3A_9, %get3A_10] : memref<98x1024xf32, #tpu.memory_space<vmem>>, vector<98x1024xf32>
    %add3A_12 = arith.addf %add3A, %get3A_11 : vector<98x1024xf32>
    %tanh3A = math.tanh %add3A_12 : vector<98x1024xf32>
    %get3A_13 = arith.constant 0 : index
    %get3A_14 = arith.constant 0 : index
    %get3A_15 = vector.load %arg1[%get3A_13, %get3A_14] : memref<98x1024xf32, #tpu.memory_space<vmem>>, vector<98x1024xf32>
    %neg3A = arith.constant 0.000000e+00 : f32
    %neg3A_16 = vector.broadcast %neg3A : f32 to vector<98x1024xf32>
    %neg3A_17 = arith.subf %neg3A_16, %get3A_15 : vector<98x1024xf32>
    %get3A_18 = arith.constant 0 : index
    %get3A_19 = arith.constant 0 : index
    %get3A_20 = vector.load %arg3[%get3A_18, %get3A_19] : memref<98x1024xf32, #tpu.memory_space<vmem>>, vector<98x1024xf32>
    %mul3A = arith.constant 2.30258512 : f32
    %mul3A_21 = vector.broadcast %mul3A : f32 to vector<98x1024xf32>
    %mul3A_22 = arith.mulf %get3A_20, %mul3A_21 : vector<98x1024xf32>
    %exp3A = math.exp %mul3A_22 : vector<98x1024xf32>
    %mul3A_23 = arith.mulf %exp3A, %tanh3A : vector<98x1024xf32>
    %add3A_24 = arith.addf %neg3A_17, %mul3A_23 : vector<98x1024xf32>
    %get3A_25 = arith.constant 0 : index
    %get3A_26 = arith.constant 0 : index
    %get3A_27 = vector.load %arg2[%get3A_25, %get3A_26] : memref<98x1024xf32, #tpu.memory_space<vmem>>, vector<98x1024xf32>
    %div3A = arith.divf %add3A_24, %get3A_27 : vector<98x1024xf32>
    %swap3A = arith.constant 0 : index
    %swap3A_28 = arith.constant 0 : index
    %swap3A_29 = vector.load %arg5[%swap3A, %swap3A_28] : memref<98x1024xf32, #tpu.memory_space<vmem>>, vector<98x1024xf32>
    tpu.vector_store %arg5[%swap3A, %swap3A_28], %div3A {strides = array<i32>} : memref<98x1024xf32, #tpu.memory_space<vmem>>, vector<98x1024xf32>,
    return
  }
}

</mosaic_0001>

<sc_bundles>
// kernel: kernel.4.cloned.1.call-start
scs
__scs_entry_jumppad:
0x0: {  	(pc) =	sbr.rel $0x88, $3  }
0x1: {  	(tag) =	ssettag $0x0;
	lr =	simm.s32 $0x1  }
0x2: {  	[smem:$0x3F9B] =	sst lr;
	_ =	strace $0xD0000000  }
0x3: {  	_ = 	snop  }
0x4: {  	_ = 	snop  }
0x5: {  	_ = 	snop  }
0x6: {  	_ = 	snop  }
0x7: {  	_ = 	snop  }
__scs_overlays_trampoline_lowered:
0x8: {  	[smem:$0x3FAA] =	sst s0  }
0x9: {  	[smem:$0x3FAB] =	sst s1  }
0xa: {  	[smem:$0x3FAC] =	sst s2  }
0xb: {  	[smem:$0x3FAD] =	sst s3  }
0xc: {  	[smem:$0x3FAE] =	sst s4  }
0xd: {  	[smem:$0x3FAF] =	sst s5  }
0xe: {  	[smem:$0x3FB0] =	sst s6  }
0xf: {  	[smem:$0x3FB1] =	sst s7  }
0x10: {  	[smem:$0x3FB2] =	sst s8  }
0x11: {  	[smem:$0x3FB3] =	sst s9;
	s0 =	simm.s32 @!p0 $0x0  }
0x12: {  	s1 =	sld [smem:$0x3F99];
	s0 =	simm.s32 @p0 $0x1  }
0x13: {  	[smem:$0x3FB4] =	sst s0;
	s0 =	simm.s32 @!p1 $0x0  }
0x14: {  	s2 =	sld [smem:$0x3F98];
	s0 =	simm.s32 @p1 $0x1  }
0x15: {  	[smem:$0x3FB5] =	sst s0;
	s0 =	simm.s32 @!p2 $0x0  }
0x16: {  	s3 =	sld [smem:$0x3FDB];
	s0 =	simm.s32 @p2 $0x1  }
0x17: {  	s4 =	simm.s32 $0x1BF5;
	[smem:$0x3FB7] =	sst s0  }
0x18: {  	s0 =	sld [smem:$0x3F9A];
	_ =	swait.ge [sflag:s4], $0x0  }
0x19: {  	s7 =	sld [smem:$0x3F9B]  }
0x1a: {  	s8 =	sadd.s32 $0xFFFFE003, lr  }
0x1b: {  	s9 =	sadd.s32 $0xFFFFFEF7, lr;
	s5 =	simm.s32 $0xFFFFFFFF;
	p2 =	slt.u32 s8, $0xFFFFF086  }
0x1c: {  	p1 =	slt.u32 s9, $0xF7A;
	s5 =	simm.s32 @!p2 $0x0  }
0x1d: {  	s5 =	simm.s32 @p1 $0x1;
	p0 =	seq.s32 s7, s2  }
0x1e: {  	s7 =	smul.u32 @!p0 $0xF7A, s2;
	p2 =	seq.s32 @!p0 s5, $0x0  }
0x1f: {  	s9 =	smul.u32 $0xF7A, s1;
	s8 =	simm.s32 @!p0 $0x1BF5;
	p2 =	por !p2, p0  }
0x20: {  	[sflag:s8] =	ssyncset.s32 @!p0 $0xFFFFF086;
	s6 =	sadd.s32 @!p0 s3, s7;
	s7 =	simm.s32 @!p0 $0x108  }
0x21: {  	s3 =	sadd.s32 s3, s9;
	s6 =	sadd.s32 @!p0 $0x88, s6;
	s7 =	simm.s32 @p2 $0x1082  }
0x22: {  	[simem:s7], [sflag:s8] =	dma.local @!p0 [hbm:s6], $0xF7A  }
0x23: {  	s9 =	sor.u32 $0xD0000000, s2;
	s6 =	simm.s32 $0x108;
	_ =	swait.ge @!p0 [sflag:s8], $0x0  }
0x24: {  	s3 =	sadd.s32 $0x88, s3;
	s6 =	simm.s32 @!p1 $0x1082;
	[sflag:s4] =	ssyncset.s32 $0xFFFFF086  }
0x25: {  	[simem:s6], [sflag:s4] =	dma.local [hbm:s3], $0xF7A  }
0x26: {  	[smem:$0x3F9B] =	sst s1;
	(tag) =	ssettag s2;
	_ =	strace s9  }
0x27: {  	s1 =	sld [smem:$0x3FAB]  }
0x28: {  	s2 =	sld [smem:$0x3FAC]  }
0x29: {  	s4 =	sld [smem:$0x3FAE]  }
0x2a: {  	p0 =	seq.s32 s5, $0x0;
	s5 =	sld [smem:$0x3FAF]  }
0x2b: {  	s6 =	sld [smem:$0x3FB0]  }
0x2c: {  	s7 =	sld [smem:$0x3FB1]  }
0x2d: {  	s3 =	simm.s32 $0x108;
	s8 =	sld [smem:$0x3FB2]  }
0x2e: {  	s3 =	simm.s32 @!p0 $0x1082;
	s9 =	sld [smem:$0x3FB3]  }
0x2f: {  	lr =	sadd.s32 s0, s3;
	s0 =	sld [smem:$0x3FAA]  }
0x30: {  	s3 =	sld [smem:$0x3FAD]  }
0x31: {  	[smem:$0x3FB6] =	sst s10  }
0x32: {  	s10 =	sld [smem:$0x3FB4];
	_ =	sdelay $0x3  }
0x33: {  	p0 =	seq.s32 s10, $0x1;
	s10 =	sld [smem:$0x3FB6];
	_ =	sdelay $0x3  }
0x34: {  	[smem:$0x3FB6] =	sst s10  }
0x35: {  	s10 =	sld [smem:$0x3FB5];
	_ =	sdelay $0x3  }
0x36: {  	p1 =	seq.s32 s10, $0x1;
	s10 =	sld [smem:$0x3FB6];
	_ =	sdelay $0x3  }
0x37: {  	[smem:$0x3FB6] =	sst s10  }
0x38: {  	s10 =	sld [smem:$0x3FB7]  }
0x39: {  	_ = 	snop;
	(pc) =	sbr.ind lr, $3  }
0x3a: {  	_ = 	snop  }
0x3b: {  	_ = 	snop  }
0x3c: {  	p2 =	seq.s32 s10, $0x1;
	s10 =	sld [smem:$0x3FB6]  }
0x3d: {  	_ =	shalt  }
0x3e: {  	_ =	shalt  }
0x3f: {  	_ =	shalt  }
0x40: {  	_ =	shalt  }
0x41: {  	_ =	shalt  }
0x42: {  	_ =	shalt  }
0x43: {  	_ =	shalt  }
0x44: {  	_ =	shalt  }
0x45: {  	_ =	shalt  }
0x46: {  	_ =	shalt  }
0x47: {  	_ =	shalt  }
0x48: {  	_ =	shalt  }
0x49: {  	_ =	shalt  }
0x4a: {  	_ =	shalt  }
0x4b: {  	_ =	shalt  }
0x4c: {  	_ =	shalt  }
0x4d: {  	_ =	shalt  }
0x4e: {  	_ =	shalt  }
0x4f: {  	_ =	shalt  }
0x50: {  	_ =	shalt  }
0x51: {  	_ =	shalt  }
0x52: {  	_ =	shalt  }
0x53: {  	_ =	shalt  }
0x54: {  	_ =	shalt  }
0x55: {  	_ =	shalt  }
0x56: {  	_ =	shalt  }
0x57: {  	_ =	shalt  }
0x58: {  	_ =	shalt  }
0x59: {  	_ =	shalt  }
0x5a: {  	_ =	shalt  }
0x5b: {  	_ =	shalt  }
0x5c: {  	_ =	shalt  }
0x5d: {  	_ =	shalt  }
0x5e: {  	_ =	shalt  }
0x5f: {  	_ =	shalt  }
0x60: {  	_ =	shalt  }
0x61: {  	_ =	shalt  }
0x62: {  	_ =	shalt  }
0x63: {  	_ =	shalt  }
0x64: {  	_ =	shalt  }
0x65: {  	_ =	shalt  }
0x66: {  	_ =	shalt  }
0x67: {  	_ =	shalt  }
0x68: {  	_ =	shalt  }
0x69: {  	_ =	shalt  }
0x6a: {  	_ =	shalt  }
0x6b: {  	_ =	shalt  }
0x6c: {  	_ =	shalt  }
0x6d: {  	_ =	shalt  }
0x6e: {  	_ =	shalt  }
0x6f: {  	_ =	shalt  }
0x70: {  	_ =	shalt  }
0x71: {  	_ =	shalt  }
0x72: {  	_ =	shalt  }
0x73: {  	_ =	shalt  }
0x74: {  	_ =	shalt  }
0x75: {  	_ =	shalt  }
0x76: {  	_ =	shalt  }
0x77: {  	_ =	shalt  }
0x78: {  	_ =	shalt  }
0x79: {  	_ =	shalt  }
0x7a: {  	_ =	shalt  }
0x7b: {  	_ =	shalt  }
0x7c: {  	_ =	shalt  }
0x7d: {  	_ =	shalt  }
0x7e: {  	_ =	shalt  }
0x7f: {  	_ =	shalt  }
0x80: {  	_ =	shalt  }
0x81: {  	_ =	shalt  }
0x82: {  	_ =	shalt  }
0x83: {  	_ =	shalt  }
0x84: {  	_ =	shalt  }
0x85: {  	_ =	shalt  }
0x86: {  	_ =	shalt  }
0x87: {  	_ =	shalt  }
.Lfunc_end0:
.L_simem_size_0:
called_computation_lowered:
.L_overlay_start_0:
0x88: {  	s2 =	sld [smem:$0x3FD9]  }
0x89: {  	s3 =	sld [smem:$0x3FFE];
	_ =	sdelay $0x1  }
0x8a: {  	s1 =	srdreg.scid  }
0x8b: {  	s0 =	sand.u32 $0x1, s1  }
0x8c: {  	s17 =	sshll.u32 s0, $0xA;
	s2 =	sadd.s32 s3, s2  }
0x8d: {  	s2 =	sadd.s32 s2, s17  }
0x8e: {  	[smem:$0x3FC2] =	sst s2  }
0x8f: {  	_ = 	snop  }
0x90: {  	s2 =	sld [smem:$0x3FC9]  }
0x91: {  	s18 =	sld [smem:$0x3FC7];
	(tm) =	ssettm $0x1  }
0x92: {  	s4 =	sld [smem:$0x3FFB];
	_ =	sdelay $0x3  }
0x93: {  	_ =	strace s4  }
0x94: {  	s4 =	sld [smem:$0x3FFC];
	_ =	sdelay $0x3  }
0x95: {  	_ =	strace s4  }
0x96: {  	s4 =	sld [smem:$0x3FFD];
	_ =	sdelay $0x3  }
0x97: {  	_ =	strace s4  }
0x98: {  	_ =	strace $0x8FFFFFFF  }
0x99: {  	s19 =	sld [smem:$0x3FDB];
	_ =	sdelay $0x1  }
0x9a: {  	s5 =	simm.s32 $_scs_section_size  }
0x9b: {  	s6 =	simm.s32 $_size__tile_overlayer_lowered;
	s7 =	simm.s32 $_tile_overlayer_lowered  }
0x9c: {  	s22 =	simm.s32 $0x1BFF;
	s21 =	sshll.u32 s7, $0x1;
	s4 =	sadd.s32 s5, s19  }
0x9d: {  	s8 =	simm.s32 $0x0;
	s20 =	sshll.u32 s6, $0x1;
	s6 =	sadd.s32 s21, s4  }
0x9e: {  	[timem:s8], [sflag:s22] =	dma.local [hbm:s6], s20  }
0x9f: {  	_ =	swait.ge [sflag:s22], s20  }
0xa0: {  	s5 =	ssub.s32 $0x0, s20;
	[sflag:s22] =	ssyncset.done $0x0  }
0xa1: {  	[sflag:s22] =	ssyncadd.s32 s5;
	_ =	sdelay $0x1  }
0xa2: {  	s23 =	simm.s32 $0x1B8B  }
0xa3: {  	_ =	swait.ge [sflag:s23], $0x1  }
0xa4: {  	[sflag:s23] =	ssyncset.done $0x0  }
0xa5: {  	s25 =	simm.s32 $0x1B8E;
	s24 =	sld [smem:$0x3FFE];
	[sflag:s23] =	ssyncadd.s32 $0xFFFFFFFF  }
0xa6: {  	s26 =	simm.s32 $execute0_lowered;
	[smem:$0x3FD2] =	sst s25  }
0xa7: {  	s6 =	sshll.u32 s26, $0x1;
	_ =	strace $0x80000046;
	[dreg:$0x1] =	wrdreg $0xFFFFFFFF  }
0xa8: {  	s28 =	simm.s32 $_size_execute0_lowered;
	s4 =	sadd.s32 s4, s6;
	[dreg:$0x0] =	wrdreg $0x0  }
0xa9: {  	s6 =	sshll.u32 s28, $0x1;
	[dreg:$0x2] =	wrdreg s4  }
0xaa: {  	[dreg:$0x3] =	wrdreg s6  }
0xab: {  	[dreg:$0x4] =	wrdreg $0xC0  }
0xac: {  	_ =	task [dreg:s8], $0x5FFFF  }
0xad: {  	[dreg:$0x1] =	wrdreg $0xFFFFFFFF  }
0xae: {  	[dreg:$0x0] =	wrdreg $0x60  }
0xaf: {  	[dreg:$0x2] =	wrdreg s24  }
0xb0: {  	[dreg:$0x3] =	wrdreg s18  }
0xb1: {  	[dreg:$0x4] =	wrdreg s2  }
0xb2: {  	[dreg:$0x5] =	wrdreg $0x1E1400  }
0xb3: {  	[dreg:$0x6] =	wrdreg $0x1C8C00  }
0xb4: {  	[dreg:$0x7] =	wrdreg $0x9  }
0xb5: {  	_ =	task.clear_ibuf [dreg:s8], $0x8FFFF;
	_ =	strace $0x90000046  }
0xb6: {  	s29 =	simm.s32 $0x9;
	_ =	strace $0x80000048  }
0xb7: {  	_ =	swait.ge [sflag:s29], $0x1  }
0xb8: {  	[sflag:s29] =	ssyncadd.s32 $0xFFFFFFFF  }
0xb9: {  	_ =	strace $0x90000048  }
0xba: {  	_ =	sfence  }
0xbb: {  	s30 =	sld [smem:$0x0];
	_ =	sdelay $0x2  }
0xbc: {  	s31 =	sshll.u32 s1, $0xD;
	s1 =	sshrl.u32 s1, $0x2  }
0xbd: {  	s3 =	sand.u32 $0x4000, s31;
	s1 =	sadd.s32 s1, s30  }
0xbe: {  	s0 =	sor.u32 s3, s0;
	s1 =	sshll.u32 s1, $0x11  }
0xbf: {  	s0 =	sor.u32 s1, s0  }
0xc0: {  	s0 =	sadd.s32 $0x8F2B, s0  }
0xc1: {  	[sflag:s0] =	ssyncadd.remote.s32 $0x1  }
0xc2: {  	_ =	sfence.sel $0xFFFF  }
0xc3: {  	[dreg:$0x0] =	wrdreg $0xFFFFFFFF;
	(pc) =	sbr.abs _section_cstart, $3  }
0xc4: {  	[dreg:$0x1] =	wrdreg $0xFFFFFFFF  }
0xc5: {  	_ =	task.clear_ibuf [dreg:s8], $0x2FFFF;
	_ =	strace $0x9FFFFFFF  }
0xc6: {  	(tm) =	ssettm $0x7FFFFFFF  }
0xc7: {  	_ =	shalt  }
tec
execute0_lowered:
.L_overlay_start_1:
0x0: {  	(tag) =	ssettag $0x1  }
0x1: {  	s1 =	rddreg [dreg:$0x0]  }
0x2: {  	s0 =	rddreg [dreg:$0x1]  }
0x3: {  	s11 =	rddreg [dreg:$0x3];
	s2 =	srdreg.scid  }
0x4: {  	s12 =	stileid.u32;
	s5 =	rddreg [dreg:$0x4];
	s6 =	simm.s32 $0x0  }
0x5: {  	s14 =	simm.s32 $0x9D;
	s21 =	simm.s32 $0x9B;
	s28 =	simm.s32 $0x11  }
0x6: {  	s29 =	simm.s32 $0x80;
	s30 =	simm.s32 $0x0;
	s3 =	smul.u32 $0x1880, s12  }
0x7: {  	s2 =	sand.u32 $0x1, s2;
	[smem:$0x7FF] =	sst s6;
	s7 =	sadd.s32 $0xC4400, s1  }
0x8: {  	s8 =	sadd.s32 $0xE00, s1;
	s4 =	smul.u32 $0x18800, s2;
	s10 =	sadd.s32 s3, s5  }
0x9: {  	_ =	strace $0x80000047;
	s9 =	ssub.s32 $0x2, s2;
	s23 =	sadd.s32 $0x620, s10  }
0xa: {  	s2 =	sshll.u32 s2, $0x4;
	s24 =	sadd.s32 $0xC40, s10;
	[dreg:$0x6] =	wrdreg s23  }
0xb: {  	s4 =	sadd.s32 s3, s4;
	s3 =	sadd.s32 $0x1260, s10;
	[dreg:$0x7] =	wrdreg s24  }
0xc: {  	s22 =	sshrl.u32 s9, $0x1;
	s4 =	sshrl.u32 s4, $0x3;
	[dreg:$0x8] =	wrdreg s3  }
0xd: {  	s1 =	sadd.s32 s4, s1;
	s4 =	ssub.s32 s9, s22;
	s9 =	sor.u32 s12, s2  }
0xe: {  	s23 =	simm.s32 $0xD;
	s22 =	simm.s32 $0x10;
	p0 =	slt.u32 s9, $0x8  }
0xf: {  	s25 =	smul.u32 $0xA0, s9;
	s24 =	sadd.s32 $0x187A00, s1;
	s14 =	simm.s32 @!p0 $0x9C  }
0x10: {  	s21 =	simm.s32 @!p0 $0x9A;
	s22 =	simm.s32 @!p0 $0xF;
	s23 =	simm.s32 @!p0 $0x10  }
0x11: {  	p0 =	sne.s32 s12, $0x0;
	s26 =	sadd.s32 s7, s25;
	s31 =	sadd.s32 $0x1400, s25  }
0x12: {  	s13 =	sadd.s32 s8, s25;
	s17 =	sadd.s32 s0, s25;
	[dreg:$0x9] =	wrdreg s26  }
0x13: {  	s25 =	smax.u32 s4, $0x1;
	[dreg:$0xa] =	wrdreg s13;
	s18 =	sadd.s32 s7, s31  }
0x14: {  	v0 =	vimm.f32 $0.0e+00;
	s19 =	sadd.s32 s8, s31;
	s20 =	sadd.s32 s0, s31;
	s26 =	simm.s32 $0x1C2A0  }
.LBB2_1:
0x15: {  	s1 =	sshrl.u32 @!p0 s11, $0x3;
	s2 =	simm.s32 @!p0 $0x1C11;
	s3 =	rddreg [dreg:$0x2]  }
0x16: {  	[spmem:s1], [sflag:s2] =	dma.local @!p0 [hbm:s3], $0x30D4  }
0x17: {  	s1 =	simm.s32 @!p0 $0x11  }
0x18: {  	_ =	swait.ge @!p0 [sflag:s1], $0x30D4  }
0x19: {  	[sflag:s1] =	ssyncset.done @!p0 $0x0  }
0x1a: {  	s2 =	simm.s32 $0x0;
	[sflag:s1] =	ssyncadd.s32 @!p0 $0xFFFFCF2C;
	s1 =	simm.s32 $0x40  }
.LBB2_2:
0x1b: {  	p1 =	sne.s32 s1, $0x1840;
	[tilespmem:s2+$0x1C2A0] =	vst v0;
	s2 =	smov.u32 s1;
	s1 =	sadd.s32 $0x40, s1  }
.Ltmp0:
0x1c: {  	(pc) =	sbr.rel @p1 .LBB2_2-.Ltmp0, $2  }
0x1d: {  	_ =	sdelay $0x2  }
0x1e: {  	s2 =	sshra.s32 s2, $0x2  }
0x1f: {  	[tilespmem:s2+$0x1C2A0] =	vst v0  }
0x20: {  	[spmem:s10] =	stream.linear.scatter [tilespmem:s26], [sflag:$0x11], $0x620, $0x38;
	[tilespmem:$0x1F9B0] =	vst v63  }
0x21: {  	_ =	swait.ge [sflag:s28], $0x620  }
0x22: {  	[sflag:s28] =	ssyncset.done $0x0  }
0x23: {  	s1 =	rddreg [dreg:$0x6];
	[sflag:s28] =	ssyncadd.s32 $0xFFFFF9E0  }
0x24: {  	[spmem:s1] =	stream.linear.scatter [tilespmem:s26], [sflag:$0x11], $0x620, $0x38;
	[tilespmem:$0x1F9B0] =	vst v63  }
0x25: {  	_ =	swait.ge [sflag:s28], $0x620  }
0x26: {  	[sflag:s28] =	ssyncset.done $0x0  }
0x27: {  	s4 =	rddreg [dreg:$0x7];
	[sflag:s28] =	ssyncadd.s32 $0xFFFFF9E0  }
0x28: {  	[spmem:s4] =	stream.linear.scatter [tilespmem:s26], [sflag:$0x11], $0x620, $0x38;
	[tilespmem:$0x1F9B0] =	vst v63  }
0x29: {  	_ =	swait.ge [sflag:s28], $0x620  }
0x2a: {  	[sflag:s28] =	ssyncset.done $0x0  }
0x2b: {  	s12 =	rddreg [dreg:$0x8];
	[sflag:s28] =	ssyncadd.s32 $0xFFFFF9E0  }
0x2c: {  	[spmem:s12] =	stream.linear.scatter [tilespmem:s26], [sflag:$0x11], $0x620, $0x38;
	[tilespmem:$0x1F9B0] =	vst v63  }
0x2d: {  	_ =	swait.ge [sflag:s28], $0x620  }
0x2e: {  	[sflag:s28] =	ssyncset.done $0x0  }
0x2f: {  	[sflag:s28] =	ssyncadd.s32 $0xFFFFF9E0  }
0x30: {  	s31 =	simm.s32 $0x0;
	[bflag:$0x0] =	sbarrier.arrive $0xFFFF  }
0x31: {  	[tilespmem:s31], [sflag:$0x11] =	stream.linear.gather [spmem:s11], $0x186A0, $0x38;
	[tilespmem:$0x1F9B0] =	vst v63  }
0x32: {  	_ =	swait.ge [sflag:s28], $0x186A0  }
0x33: {  	[sflag:s28] =	ssyncset.done $0x0  }
0x34: {  	s15 =	simm.s32 $0x186A0;
	s13 =	rddreg [dreg:$0x9];
	[sflag:s28] =	ssyncadd.s32 $0xFFFE7960  }
0x35: {  	[tilespmem:s15], [sflag:$0x1] =	stream.linear.gather [hbm4b:s13+s31], $0x500, $0x38;
	[tilespmem:$0x1F9B0] =	vst v63  }
0x36: {  	s4 =	simm.s32 $0x19AA0;
	s3 =	rddreg [dreg:$0xa]  }
0x37: {  	[tilespmem:s4], [sflag:$0x2] =	stream.linear.gather [hbm4b:s3+s31], $0x500, $0x38;
	[tilespmem:$0x1F9B0] =	vst v63  }
0x38: {  	s16 =	smov.u32 s11;
	s11 =	simm.s32 $0x1AEA0  }
0x39: {  	[tilespmem:s11], [sflag:$0x3] =	stream.linear.gather [hbm4b:s17+s31], $0x500, $0x38;
	[tilespmem:$0x1F9B0] =	vst v63  }
0x3a: {  	s12 =	simm.s32 $0x18BA0  }
0x3b: {  	[tilespmem:s12], [sflag:$0x4] =	stream.linear.gather [hbm4b:s18+s31], $0x500, $0x38;
	[tilespmem:$0x1F9B0] =	vst v63  }
0x3c: {  	s13 =	simm.s32 $0x19FA0  }
0x3d: {  	[tilespmem:s13], [sflag:$0x5] =	stream.linear.gather [hbm4b:s19+s31], $0x500, $0x38;
	[tilespmem:$0x1F9B0] =	vst v63  }
0x3e: {  	s15 =	simm.s32 $0x1B3A0;
	s3 =	simm.s32 $0x0  }
0x3f: {  	[tilespmem:s15], [sflag:$0x6] =	stream.linear.gather [hbm4b:s20+s31], $0x500, $0x38;
	[tilespmem:$0x1F9B0] =	vst v63  }
.LBB2_4:
0x40: {  	s4 =	sand.u32 $0x3, s3  }
0x41: {  	s1 =	smul.u32 $0xC, s4;
	_ =	sdelay $0x1  }
0x42: {  	s1 =	sshrl.u32 s1, $0x2  }
0x43: {  	s2 =	sadd.s32 $0x1, s1  }
0x44: {  	_ =	swait.ge [sflag:s2], $0x500  }
0x45: {  	[sflag:s2] =	ssyncset.done $0x0  }
0x46: {  	s13 =	sadd.s32 $0x2, s1;
	[sflag:s2] =	ssyncadd.s32 $0xFFFFFB00  }
0x47: {  	_ =	swait.ge [sflag:s13], $0x500  }
0x48: {  	s11 =	sand.u32 $0x3, s31;
	[sflag:s13] =	ssyncset.done $0x0  }
0x49: {  	s11 =	smul.u32 $0x1400, s11;
	s1 =	sadd.s32 $0x3, s1;
	[sflag:s13] =	ssyncadd.s32 $0xFFFFFB00  }
0x4a: {  	_ =	swait.ge [sflag:s1], $0x500  }
0x4b: {  	s15 =	sshrl.u32 s11, $0x2;
	[sflag:s1] =	ssyncset.done $0x0  }
0x4c: {  	s12 =	sadd.s32 $0x186E0, s15;
	[sflag:s1] =	ssyncadd.s32 $0xFFFFFB00  }
0x4d: {  	v1 =	vld [tilespmem:s12+$0x30]  }
0x4e: {  	v2 =	vld [tilespmem:s12+$0xFFFFFFD0]  }
0x4f: {  	v3 =	vld [tilespmem:s12+$0xFFFFFFE0]  }
0x50: {  	v4 =	vld [tilespmem:s12+$0xFFFFFFF0]  }
0x51: {  	v6 =	vld [tilespmem:s12+$0x0]  }
0x52: {  	v7 =	vld [tilespmem:s12+$0x10]  }
0x53: {  	v8 =	vld [tilespmem:s12+$0x20]  }
0x54: {  	s2 =	sadd.s32 $0x1AEE0, s15;
	v9 =	vld [tilespmem:s12+$0xFFFFFFC0]  }
0x55: {  	v12 =	vld [tilespmem:s2+$0x30]  }
0x56: {  	v15 =	vld [tilespmem:s2+$0xFFFFFFD0]  }
0x57: {  	v10 =	vld [tilespmem:s2+$0xFFFFFFE0]  }
0x58: {  	v11 =	vld.idx.msk [tilespmem:v1+s6+$0x0], $0xffff  }
0x59: {  	v13 =	vld.idx.msk [tilespmem:v2+s6+$0x0], $0xffff  }
0x5a: {  	v5 =	vld.idx.msk [tilespmem:v3+s6+$0x0], $0xffff  }
0x5b: {  	v4 =	vld.idx.msk [tilespmem:v4+s6+$0x0], $0xffff  }
0x5c: {  	v14 =	vld.idx.msk [tilespmem:v9+s6+$0x0], $0xffff  }
0x5d: {  	v2 =	vld.idx.msk [tilespmem:v8+s6+$0x0], $0xffff  }
0x5e: {  	v8 =	vld [tilespmem:s2+$0xFFFFFFC0]  }
0x5f: {  	v3 =	vld.idx.msk [tilespmem:v6+s6+$0x0], $0xffff  }
0x60: {  	v1 =	vld.idx.msk [tilespmem:v7+s6+$0x0], $0xffff  }
0x61: {  	v9 =	vld [tilespmem:s2+$0xFFFFFFF0]  }
0x62: {  	v7 =	vld [tilespmem:s2+$0x0];
	v11 =	vmul.f32 v12, v11  }
0x63: {  	v6 =	vld [tilespmem:s2+$0x10];
	v12 =	vmul.f32 v8, v14  }
0x64: {  	s11 =	simm.s32 $0x0;
	s1 =	smul.u32 $0x500, s4;
	s12 =	sadd.s32 $0x80, s12;
	v8 =	vld [tilespmem:s2+$0x20];
	[tilespmem:s2+$0x30] =	vst v11;
	v11 =	vmul.f32 v15, v13  }
.LBB2_5:
0x65: {  	v13 =	vld [tilespmem:s12+$0x30];
	s11 =	sadd.s32 $0x80, s11;
	[tilespmem:s2+$0xFFFFFFC0] =	vst v12;
	v5 =	vmul.f32 v10, v5  }
0x66: {  	v10 =	vld [tilespmem:s12+$0xFFFFFFD0];
	p1 =	slt.u32 s11, $0x480;
	[tilespmem:s2+$0xFFFFFFD0] =	vst v11;
	v4 =	vmul.f32 v9, v4  }
0x67: {  	v9 =	vld [tilespmem:s12+$0xFFFFFFE0];
	[tilespmem:s2+$0xFFFFFFE0] =	vst v5;
	v3 =	vmul.f32 v7, v3  }
0x68: {  	v7 =	vld [tilespmem:s12+$0xFFFFFFF0];
	[tilespmem:s2+$0xFFFFFFF0] =	vst v4;
	v1 =	vmul.f32 v6, v1  }
0x69: {  	v6 =	vld [tilespmem:s12+$0x0];
	[tilespmem:s2+$0x0] =	vst v3;
	v2 =	vmul.f32 v8, v2  }
0x6a: {  	v8 =	vld [tilespmem:s12+$0x10];
	[tilespmem:s2+$0x10] =	vst v1  }
0x6b: {  	v11 =	vld [tilespmem:s12+$0x20];
	[tilespmem:s2+$0x20] =	vst v2  }
0x6c: {  	v2 =	vld [tilespmem:s12+$0xFFFFFFC0]  }
0x6d: {  	s2 =	sadd.s32 $0x80, s2;
	v12 =	vld.idx.msk [tilespmem:v13+s6+$0x0], $0xffff  }
0x6e: {  	v13 =	vld [tilespmem:s2+$0x30]  }
0x6f: {  	v14 =	vld.idx.msk [tilespmem:v10+s6+$0x0], $0xffff  }
0x70: {  	v5 =	vld.idx.msk [tilespmem:v9+s6+$0x0], $0xffff  }
0x71: {  	v4 =	vld.idx.msk [tilespmem:v7+s6+$0x0], $0xffff  }
0x72: {  	v3 =	vld.idx.msk [tilespmem:v6+s6+$0x0], $0xffff  }
0x73: {  	v1 =	vld.idx.msk [tilespmem:v8+s6+$0x0], $0xffff;
	v6 =	vmul.f32 v13, v12  }
0x74: {  	v8 =	vld.idx.msk [tilespmem:v2+s6+$0x0], $0xffff  }
0x75: {  	v2 =	vld.idx.msk [tilespmem:v11+s6+$0x0], $0xffff;
	[tilespmem:s2+$0x30] =	vst v6  }
0x76: {  	v6 =	vld [tilespmem:s2+$0xFFFFFFC0]  }
0x77: {  	v11 =	vld [tilespmem:s2+$0xFFFFFFD0]  }
.Ltmp1:
0x78: {  	v10 =	vld [tilespmem:s2+$0xFFFFFFE0];
	(pc) =	sbr.rel @p1 .LBB2_5-.Ltmp1, $4  }
0x79: {  	v9 =	vld [tilespmem:s2+$0xFFFFFFF0]  }
0x7a: {  	v7 =	vld [tilespmem:s2+$0x0]  }
0x7b: {  	v12 =	vmul.f32 v6, v8;
	v6 =	vld [tilespmem:s2+$0x10]  }
0x7c: {  	s12 =	sadd.s32 $0x80, s12;
	v11 =	vmul.f32 v11, v14;
	v8 =	vld [tilespmem:s2+$0x20]  }
0x7d: {  	[tilespmem:s2+$0xFFFFFFC0] =	vst v12;
	v5 =	vmul.f32 v10, v5  }
0x7e: {  	[tilespmem:s2+$0xFFFFFFD0] =	vst v11;
	v4 =	vmul.f32 v9, v4  }
0x7f: {  	[tilespmem:s2+$0xFFFFFFE0] =	vst v5;
	v3 =	vmul.f32 v7, v3  }
0x80: {  	[tilespmem:s2+$0xFFFFFFF0] =	vst v4;
	v1 =	vmul.f32 v6, v1  }
0x81: {  	[tilespmem:s2+$0x0] =	vst v3;
	v2 =	vmul.f32 v8, v2  }
0x82: {  	[tilespmem:s2+$0x10] =	vst v1  }
0x83: {  	s12 =	sadd.s32 $0x1AEA0, s1;
	s11 =	sadd.s32 $0x19AA0, s1;
	s4 =	sadd.s32 $0xD, s4;
	[tilespmem:s2+$0x20] =	vst v2  }
0x84: {  	[spmem:s5] =	stream.indirect.scatter.add.f32 [tilespmem:s12], [sflag:s4], $0x1, s11, s29, $0xb8;
	[tilespmem:$0x1F9B0] =	vst v63  }
0x85: {  	s13 =	sadd.s32 $0x1AF20, s1;
	s15 =	sadd.s32 $0x19B20, s1  }
0x86: {  	[spmem:s5] =	stream.indirect.scatter.add.f32 [tilespmem:s13], [sflag:s4], $0x1, s15, s29, $0xb8;
	[tilespmem:$0x1F9B0] =	vst v63  }
0x87: {  	s11 =	sadd.s32 $0x1AFA0, s1;
	s12 =	sadd.s32 $0x19BA0, s1  }
0x88: {  	[spmem:s5] =	stream.indirect.scatter.add.f32 [tilespmem:s11], [sflag:s4], $0x1, s12, s29, $0xb8;
	[tilespmem:$0x1F9B0] =	vst v63  }
0x89: {  	s13 =	sadd.s32 $0x1B020, s1;
	s15 =	sadd.s32 $0x19C20, s1  }
0x8a: {  	[spmem:s5] =	stream.indirect.scatter.add.f32 [tilespmem:s13], [sflag:s4], $0x1, s15, s29, $0xb8;
	[tilespmem:$0x1F9B0] =	vst v63  }
0x8b: {  	s11 =	sadd.s32 $0x1B0A0, s1;
	s12 =	sadd.s32 $0x19CA0, s1  }
0x8c: {  	[spmem:s5] =	stream.indirect.scatter.add.f32 [tilespmem:s11], [sflag:s4], $0x1, s12, s29, $0xb8;
	[tilespmem:$0x1F9B0] =	vst v63  }
0x8d: {  	s13 =	sadd.s32 $0x1B120, s1;
	s15 =	sadd.s32 $0x19D20, s1  }
0x8e: {  	[spmem:s5] =	stream.indirect.scatter.add.f32 [tilespmem:s13], [sflag:s4], $0x1, s15, s29, $0xb8;
	[tilespmem:$0x1F9B0] =	vst v63  }
0x8f: {  	s11 =	sadd.s32 $0x1B1A0, s1;
	s12 =	sadd.s32 $0x19DA0, s1;
	s13 =	sadd.s32 $0x1B220, s1  }
0x90: {  	[spmem:s5] =	stream.indirect.scatter.add.f32 [tilespmem:s11], [sflag:s4], $0x1, s12, s29, $0xb8;
	[tilespmem:$0x1F9B0] =	vst v63  }
0x91: {  	s15 =	sadd.s32 $0x19E20, s1;
	s11 =	sadd.s32 $0x1B2A0, s1;
	s12 =	sadd.s32 $0x19EA0, s1  }
0x92: {  	[spmem:s5] =	stream.indirect.scatter.add.f32 [tilespmem:s13], [sflag:s4], $0x1, s15, s29, $0xb8;
	[tilespmem:$0x1F9B0] =	vst v63  }
0x93: {  	s13 =	sadd.s32 $0x1B320, s1;
	s15 =	sadd.s32 $0x19F20, s1;
	s1 =	sadd.s32 $0x2, s3  }
0x94: {  	[spmem:s5] =	stream.indirect.scatter.add.f32 [tilespmem:s11], [sflag:s4], $0x1, s12, s29, $0xb8;
	[tilespmem:$0x1F9B0] =	vst v63  }
0x95: {  	p1 =	sgt.u32 s3, $0x1;
	s2 =	sand.u32 $0x3, s1  }
0x96: {  	[spmem:s5] =	stream.indirect.scatter.add.f32 [tilespmem:s13], [sflag:s4], $0x1, s15, s29, $0xb8;
	[tilespmem:$0x1F9B0] =	vst v63  }
0x97: {  	s4 =	sadd.s32 @p1 $0xD, s2  }
0x98: {  	_ =	swait.ge @p1 [sflag:s4], $0x500  }
0x99: {  	[sflag:s4] =	ssyncset.done @p1 $0x0  }
0x9a: {  	[sflag:s4] =	ssyncadd.s32 @p1 $0xFFFFFB00;
	p1 =	sge.u32 s3, s21  }
0x9b: {  	s4 =	smul.u32 @!p1 $0x500, s2;
	s1 =	sshll.u32 @!p1 s1, $0x5  }
0x9c: {  	s2 =	smul.u32 @!p1 $0xC, s2;
	s1 =	sor.u32 @!p1 s9, s1  }
0x9d: {  	s1 =	smul.u32 @!p1 $0xA0, s1  }
0x9e: {  	s3 =	sadd.s32 $0x1, s3;
	s15 =	simm.s32 @!p1 $0x0;
	s2 =	sshrl.u32 @!p1 s2, $0x2  }
0x9f: {  	s11 =	sadd.s32 @!p1 $0x186A0, s4;
	s12 =	sadd.s32 @!p1 $0x1, s2;
	s13 =	sadd.s32 @!p1 s7, s1  }
0xa0: {  	[tilespmem:s11], [sflag:s12] =	stream.linear.gather @!p1 [hbm4b:s13+s15], $0x500, $0x38;
	[tilespmem:$0x1F9B0] =	vst v63  }
0xa1: {  	s11 =	sadd.s32 @!p1 $0x19AA0, s4;
	s12 =	sadd.s32 @!p1 $0x2, s2;
	s13 =	sadd.s32 @!p1 s8, s1  }
0xa2: {  	[tilespmem:s11], [sflag:s12] =	stream.linear.gather @!p1 [hbm4b:s13+s15], $0x500, $0x38;
	[tilespmem:$0x1F9B0] =	vst v63  }
0xa3: {  	s4 =	sadd.s32 @!p1 $0x1AEA0, s4;
	s2 =	sadd.s32 @!p1 $0x3, s2;
	s1 =	sadd.s32 @!p1 s0, s1  }
0xa4: {  	[tilespmem:s4], [sflag:s2] =	stream.linear.gather @!p1 [hbm4b:s1+s15], $0x500, $0x38;
	[tilespmem:$0x1F9B0] =	vst v63  }
0xa5: {  	p1 =	sne.s32 s3, s14  }
.Ltmp2:
0xa6: {  	_ = 	snop;
	(pc) =	sbr.rel @p1 .LBB2_4-.Ltmp2, $2  }
0xa7: {  	_ =	sdelay $0x2  }
0xa8: {  	s31 =	sadd.s32 $0x1, s31  }
0xa9: {  	_ =	swait.ge [sflag:s22], $0x500  }
0xaa: {  	[sflag:s22] =	ssyncset.done $0x0  }
0xab: {  	[sflag:s22] =	ssyncadd.s32 $0xFFFFFB00  }
0xac: {  	s1 =	stileid.u32;
	_ =	swait.ge [sflag:s23], $0x500  }
0xad: {  	s2 =	sshrl.u32 s10, $0x3;
	s30 =	sadd.s32 $0x1, s30;
	[sflag:s23] =	ssyncset.done $0x0  }
0xae: {  	s1 =	sshll.u32 s1, $0x6;
	p1 =	sne.s32 s30, s25;
	[sflag:s23] =	ssyncadd.s32 $0xFFFFFB00  }
.Ltmp3:
0xaf: {  	s1 =	sor.u32 $0x1C11, s1;
	[bflag:$0x0] =	sbarrier.arrive $0xFFFF;
	(pc) =	sbr.rel @p1 .LBB2_1-.Ltmp3, $4  }
0xb0: {  	[hbm:s24], [sflag:s1] =	dma.local [spmem:s2], $0x310  }
0xb1: {  	_ =	swait.ge [sflag:s28], $0x310  }
0xb2: {  	[sflag:s28] =	ssyncset.done $0x0  }
0xb3: {  	s11 =	smov.u32 s16;
	[sflag:s28] =	ssyncadd.s32 $0xFFFFFCF0  }
0xb4: {  	_ =	sfence.sel $0x180000  }
0xb5: {  	[bflag:$0x0] =	sbarrier.arrive $0xFFFF  }
0xb6: {  	_ =	strace $0x90000047  }
0xb7: {  	[bflag:$0x2] =	sbarrier.arrive $0xFFFF  }
0xb8: {  	s0 =	rddreg [dreg:$0x5]  }
0xb9: {  	s0 =	sadd.s32 @!p0 $0x100000, s0  }
0xba: {  	[sflag:s0] =	ssyncadd.tile.s32 @!p0 $0x1;
	_ =	shalt  }
.Lfunc_end2:
_tile_overlayer_lowered:
.L_overlay_start_2:
0xbb: {  	(tag) =	ssettag $0x2  }
0xbc: {  	s0 =	rddreg [dreg:$0x0];
	s2 =	stileid.u32  }
0xbd: {  	s1 =	rddreg [dreg:$0x1];
	p0 =	sne.s32 s2, $0x0  }
0xbe: {  	s3 =	rddreg [dreg:$0x2];
	[bflag:$0x3] =	sbarrier.arrive $0xFFFF;
	s2 =	simm.s32 @!p0 $0x1C11  }
0xbf: {  	[timem:s3], [sflag:s2] =	dma.local @!p0 [hbm:s0], s1  }
0xc0: {  	s0 =	simm.s32 @!p0 $0x11  }
0xc1: {  	_ =	swait.ge @!p0 [sflag:s0], s1  }
0xc2: {  	s1 =	ssub.s32 @!p0 $0x0, s1;
	[sflag:s0] =	ssyncset.done @!p0 $0x0  }
0xc3: {  	[sflag:s0] =	ssyncadd.s32 @!p0 s1  }
0xc4: {  	[bflag:$0x3] =	sbarrier.arrive $0xFFFF  }
0xc5: {  	_ =	shalt  }

</sc_bundles>
